<compile_context>
chip_gen: v7x
topology: tpu7x:2x2x1
jax: 0.10.2.dev20260603
libtpu: 0.0.44.dev20260713+nightly
codegen_flags: <defaults>
</compile_context>

<pallas_src>
import functools

import jax
import jax.numpy as jnp
from jax import lax
from jax.experimental import pallas as pl
from jax.experimental.pallas import tpu as pltpu
from jax.experimental.pallas import tpu_sc as plsc

NC = 2
NS = 16
NW = NC * NS
CQ = 1000


def _tc_fold_body(x4_ref, bt4_ref, k4_ref, o_ref):
    x4t = x4_ref[...].T.astype(jnp.bfloat16)
    tt4 = jnp.dot(k4_ref[...].astype(jnp.bfloat16), x4t,
                  preferred_element_type=jnp.float32)
    bt4 = bt4_ref[0]
    accs = []
    for g in range(4):
        a = tt4[g * 544 + 512:g * 544 + 544, :]
        for b in range(16):
            a = a + (bt4[g * 16 + b:g * 16 + b + 1, :]
                     * tt4[g * 544 + b * 32:g * 544 + (b + 1) * 32, :])
        accs.append(a)
    o_ref[...] = jnp.concatenate(accs, axis=0).T


def _tc_add_body(p_ref, o_ref):
    o_ref[...] = p_ref[0] + p_ref[1]


def _sc_gather(atom, pt, e, ad):
    epw = e // NW
    nq = epw // CQ
    mesh = plsc.VectorSubcoreMesh(core_axis_name="c", subcore_axis_name="s")

    @functools.partial(
        pl.kernel,
        out_type=jax.ShapeDtypeStruct((e, ad), jnp.float32),
        mesh=mesh,
        scratch_types=[pltpu.VMEM((CQ,), jnp.int32)] * nq
        + [pltpu.VMEM((2, CQ, ad), jnp.float32)]
        + [pltpu.SemaphoreType.DMA] * 2,
        compiler_params=pltpu.CompilerParams(use_tc_tiling_on_sc=False),
    )
    def k(atom_hbm, pt_hbm, x_hbm, *rest):
        idx = rest[:nq]
        rows_v = rest[nq]
        sems = rest[nq + 1:]
        cid = lax.axis_index("c")
        sid = lax.axis_index("s")
        wid = cid * NS + sid
        base = wid * epw
        for q in range(nq):
            pltpu.sync_copy(pt_hbm.at[1, pl.ds(base + q * CQ, CQ)], idx[q])
        pltpu.async_copy(atom_hbm.at[idx[0]], rows_v.at[0], sems[0])
        for q in range(nq):
            if q + 1 < nq:
                pltpu.async_copy(atom_hbm.at[idx[q + 1]],
                                 rows_v.at[(q + 1) % 2], sems[(q + 1) % 2])
            pltpu.make_async_copy(atom_hbm.at[idx[q]],
                                  rows_v.at[q % 2], sems[q % 2]).wait()
            pltpu.sync_copy(rows_v.at[q % 2],
                            x_hbm.at[pl.ds(base + q * CQ, CQ)])

    return k(atom, pt)


def _sc_scatter(t, pt, zeros, n, e, ad):
    epw = e // NW
    rpc = n // NS
    mesh = plsc.VectorSubcoreMesh(core_axis_name="c", subcore_axis_name="s")

    nq = epw // CQ

    @functools.partial(
        pl.kernel,
        out_type=jax.ShapeDtypeStruct((NC, n, ad), jnp.float32),
        mesh=mesh,
        scratch_types=[pltpu.VMEM((CQ,), jnp.int32)] * nq
        + [pltpu.VMEM((2, CQ, ad), jnp.float32)]
        + [pltpu.VMEM_SHARED((n, ad), jnp.float32)]
        + [pltpu.SemaphoreType.DMA] * 2,
        compiler_params=pltpu.CompilerParams(use_tc_tiling_on_sc=False),
    )
    def k(t_hbm, pt_hbm, z_hbm, out_hbm, *rest):
        idx = rest[:nq]
        rows_v = rest[nq]
        acc_sh = rest[nq + 1]
        sems = rest[nq + 2:]
        cid = lax.axis_index("c")
        sid = lax.axis_index("s")
        wid = cid * NS + sid
        base = wid * epw
        pltpu.sync_copy(z_hbm.at[pl.ds(sid * rpc, rpc)],
                        acc_sh.at[pl.ds(sid * rpc, rpc)])
        for q in range(nq):
            pltpu.sync_copy(pt_hbm.at[0, pl.ds(base + q * CQ, CQ)], idx[q])
        plsc.subcore_barrier()
        pltpu.async_copy(t_hbm.at[pl.ds(base, CQ)], rows_v.at[0], sems[0])
        for q in range(nq):
            if q + 1 < nq:
                pltpu.async_copy(t_hbm.at[pl.ds(base + (q + 1) * CQ, CQ)],
                                 rows_v.at[(q + 1) % 2], sems[(q + 1) % 2])
            pltpu.make_async_copy(t_hbm.at[pl.ds(base + q * CQ, CQ)],
                                  rows_v.at[q % 2], sems[q % 2]).wait()
            pltpu.sync_copy(rows_v.at[q % 2], acc_sh.at[idx[q]], add=True)
        plsc.subcore_barrier()
        pltpu.sync_copy(acc_sh.at[pl.ds(sid * rpc, rpc)],
                        out_hbm.at[cid, pl.ds(sid * rpc, rpc)])

    return k(t, pt, zeros)


def kernel(atom_features, bond_features, pair_indices, kernel, bias):
    n, ad = atom_features.shape
    e, bd = bond_features.shape
    assert e % (NW * CQ) == 0 and CQ % 8 == 0 and n % NS == 0

    kr = kernel.reshape(bd, ad, ad)
    k2 = kr.transpose(2, 0, 1).reshape(ad, bd * ad)
    b2 = bias.reshape(ad, ad).T
    k2t = jnp.concatenate([k2, b2], axis=1).T
    k4 = jnp.kron(jnp.eye(4, dtype=jnp.float32), k2t)

    pt = pair_indices.astype(jnp.int32).T

    x = _sc_gather(atom_features, pt, e, ad)

    be = 8000
    x4 = x.reshape(e // 4, 4 * ad)
    bt43 = bond_features.reshape(e // be, be // 4, 4 * bd).transpose(0, 2, 1)
    t4 = pl.pallas_call(
        _tc_fold_body,
        grid=(e // be,),
        in_specs=[
            pl.BlockSpec((be // 4, 4 * ad), lambda i: (i, 0)),
            pl.BlockSpec((1, 4 * bd, be // 4), lambda i: (i, 0, 0)),
            pl.BlockSpec((4 * (bd + 1) * ad, 4 * ad), lambda i: (0, 0)),
        ],
        out_specs=pl.BlockSpec((be // 4, 4 * ad), lambda i: (i, 0)),
        out_shape=jax.ShapeDtypeStruct((e // 4, 4 * ad), jnp.float32),
    )(x4, bt43, k4)
    transformed = t4.reshape(e, ad)

    zeros = jnp.zeros((n, ad), jnp.float32)
    partials = _sc_scatter(transformed, pt, zeros, n, e, ad)

    p4 = partials.reshape(NC, n * ad // 128, 128)
    nb = n * ad // 128
    out4 = pl.pallas_call(
        _tc_add_body,
        grid=(1,),
        in_specs=[pl.BlockSpec((NC, nb, 128), lambda i: (0, 0, 0))],
        out_specs=pl.BlockSpec((nb, 128), lambda i: (0, 0)),
        out_shape=jax.ShapeDtypeStruct((nb, 128), jnp.float32),
    )(p4)
    return out4.reshape(n, ad)

# --- scband reference (transcript-rebuilt; emitter-appended) ---
"""Pipeline reference for scband-edge-network-9096740732968 (READ-ONLY COPY).

The authoritative reference and input builder live on the scoring server;
editing this copy changes nothing except your own understanding.
"""

import jax, jax.numpy as jnp
import numpy as np

N_NODES = 10000
N_EDGES = 160000
ATOM_DIM = 32
BOND_DIM = 16


def setup_inputs(seed: int = 0) -> dict:
    key = jax.random.key(seed)
    k1, k2, k3, k4, k5 = jax.random.split(key, 5)
    atom_features = jax.random.normal(k1, (N_NODES, ATOM_DIM), dtype=jnp.float32)
    bond_features = jax.random.normal(k2, (N_EDGES, BOND_DIM), dtype=jnp.float32)
    # column 0: destination node (segment ids, sorted as required by tf.math.segment_sum)
    # column 1: source/neighbor node (gather indices)
    dst = jnp.sort(jax.random.randint(k3, (N_EDGES,), 0, N_NODES, dtype=jnp.int64))
    src = jax.random.randint(k4, (N_EDGES,), 0, N_NODES, dtype=jnp.int64)
    pair_indices = jnp.stack([dst, src], axis=1)
    # learned parameters (glorot_uniform-ish scale for kernel, zeros bias)
    fan_in, fan_out = BOND_DIM, ATOM_DIM * ATOM_DIM
    limit = float(np.sqrt(6.0 / (fan_in + fan_out)))
    kernel = jax.random.uniform(k5, (BOND_DIM, ATOM_DIM * ATOM_DIM), dtype=jnp.float32, minval=-limit, maxval=limit)
    bias = jnp.zeros((ATOM_DIM * ATOM_DIM,), dtype=jnp.float32)
    return {"atom_features": atom_features, "bond_features": bond_features, "pair_indices": pair_indices, "kernel": kernel, "bias": bias}


def reference(atom_features, bond_features, pair_indices, kernel, bias):
    atom_dim = atom_features.shape[-1]
    # project bond features to per-edge [atom_dim, atom_dim] transform
    bf = jnp.matmul(bond_features, kernel) + bias
    bf = bf.reshape(-1, atom_dim, atom_dim)
    # gather neighbor atom features (pair_indices[:, 1])
    atom_features_neighbors = jnp.take(atom_features, pair_indices[:, 1], axis=0)
    # per-edge matvec: [E, d, d] @ [E, d, 1] -> [E, d]
    transformed = jnp.einsum("eij,ej->ei", bf, atom_features_neighbors)
    # scatter-add into destination nodes (pair_indices[:, 0])
    aggregated = jax.ops.segment_sum(transformed, pair_indices[:, 0], num_segments=atom_features.shape[0])
    return aggregated

if __name__ == "__main__":
    import jax
    _d = setup_inputs()
    print(jax.jit(kernel)(*tuple(_d.values())))

</pallas_src>

<mosaic_0001>
#map = affine_map<(d0, d1) -> (0, 0)>
#map1 = affine_map<(d0, d1) -> (0, 0, 0)>
module attributes {stable_mosaic.version = 14 : i64} {
  func.func @k(%arg0: i32, %arg1: i32, %arg2: memref<160000x32xf32, #tpu.memory_space<hbm>>, %arg3: memref<2x160000xi32, #tpu.memory_space<hbm>>, %arg4: memref<10000x32xf32, #tpu.memory_space<hbm>>, %arg5: memref<2x10000x32xf32, #tpu.memory_space<hbm>>, %arg6: memref<1000xi32, #tpu.memory_space<vmem>>, %arg7: memref<1000xi32, #tpu.memory_space<vmem>>, %arg8: memref<1000xi32, #tpu.memory_space<vmem>>, %arg9: memref<1000xi32, #tpu.memory_space<vmem>>, %arg10: memref<1000xi32, #tpu.memory_space<vmem>>, %arg11: memref<2x1000x32xf32, #tpu.memory_space<vmem>>, %arg12: memref<10000x32xf32, #tpu.memory_space<vmem_shared>>, %arg13: memref<!tpu.dma_semaphore, #tpu.memory_space<semaphore_mem>>, %arg14: memref<!tpu.dma_semaphore, #tpu.memory_space<semaphore_mem>>) attributes {dimension_semantics = [#tpu.dimension_semantics<core_parallel>, #tpu.dimension_semantics<subcore_parallel>], iteration_bounds = array<i64: 2, 16>, scalar_prefetch = 0 : i64, scratch_operands = 9 : i64, tpu.core_type = #tpu.core_type<sc_vector_subcore>, window_params = [{transform_indices = #map}, {transform_indices = #map}, {transform_indices = #map}, {transform_indices = #map1}]} {
    %mul3A = arith.constant 16 : i32
    %mul3A_0 = arith.muli %arg0, %mul3A : i32
    %add3A = arith.addi %mul3A_0, %arg1 : i32
    %mul3A_1 = arith.constant 5000 : i32
    %mul3A_2 = arith.muli %add3A, %mul3A_1 : i32
    %mul3A_3 = arith.constant 625 : i32
    %mul3A_4 = arith.muli %arg1, %mul3A_3 : i32
    %mul3A_5 = arith.constant 625 : i32
    %mul3A_6 = arith.muli %arg1, %mul3A_5 : i32
    "tpu.region"() ({
      %run_scoped3A_177 = tpu.sem_alloc : memref<!tpu.dma_semaphore, #tpu.memory_space<semaphore_mem>>
      %dma_start3A_178 = arith.constant 0 : i32
      %dma_start3A_179 = tpu.memref_slice %arg12[%mul3A_6, %dma_start3A_178] : memref<10000x32xf32, #tpu.memory_space<vmem_shared>> -> memref<625x32xf32, #tpu.memory_space<vmem_shared>>
      %dma_start3A_180 = arith.constant 0 : i32
      %dma_start3A_181 = tpu.memref_slice %arg4[%mul3A_4, %dma_start3A_180] : memref<10000x32xf32, #tpu.memory_space<hbm>> -> memref<625x32xf32, #tpu.memory_space<hbm>>
      tpu.enqueue_dma source(%dma_start3A_181 : memref<625x32xf32, #tpu.memory_space<hbm>>) target(%dma_start3A_179 : memref<625x32xf32, #tpu.memory_space<vmem_shared>>) target_semaphore(%run_scoped3A_177 : memref<!tpu.dma_semaphore, #tpu.memory_space<semaphore_mem>>)
      %dma_wait3A_182 = arith.constant 0 : i32
      %dma_wait3A_183 = tpu.memref_slice %arg12[%mul3A_6, %dma_wait3A_182] : memref<10000x32xf32, #tpu.memory_space<vmem_shared>> -> memref<625x32xf32, #tpu.memory_space<vmem_shared>>
      %dma_wait3A_184 = arith.constant 0 : i32
      %dma_wait3A_185 = tpu.memref_slice %arg4[%mul3A_4, %dma_wait3A_184] : memref<10000x32xf32, #tpu.memory_space<hbm>> -> memref<625x32xf32, #tpu.memory_space<hbm>>
      tpu.wait_dma2 semaphore(%run_scoped3A_177 : memref<!tpu.dma_semaphore, #tpu.memory_space<semaphore_mem>>) src(%dma_wait3A_185 : memref<625x32xf32, #tpu.memory_space<hbm>>) dst(%dma_wait3A_183 : memref<625x32xf32, #tpu.memory_space<vmem_shared>>)
      tpu.yield
    }) : () -> ()
    %add3A_7 = arith.constant 0 : i32
    %add3A_8 = arith.addi %mul3A_2, %add3A_7 : i32
    %run_scoped3A = arith.constant 0 : i32
    "tpu.region"() ({
      %run_scoped3A_177 = tpu.sem_alloc : memref<!tpu.dma_semaphore, #tpu.memory_space<semaphore_mem>>
      %dma_start3A_178 = tpu.memref_slice %arg3[%run_scoped3A, %add3A_8] : memref<2x160000xi32, #tpu.memory_space<hbm>> -> memref<1x1000xi32, #tpu.memory_space<hbm>>
      %dma_start3A_179 = tpu.memref_squeeze %dma_start3A_178 : memref<1x1000xi32, #tpu.memory_space<hbm>> -> memref<1000xi32, #tpu.memory_space<hbm>>
      %dma_start3A_180 = tpu.memref_slice %arg3[%run_scoped3A, %add3A_8] : memref<2x160000xi32, #tpu.memory_space<hbm>> -> memref<1x1000xi32, #tpu.memory_space<hbm>>
      %dma_start3A_181 = tpu.memref_squeeze %dma_start3A_180 : memref<1x1000xi32, #tpu.memory_space<hbm>> -> memref<1000xi32, #tpu.memory_space<hbm>>
      tpu.enqueue_dma source(%dma_start3A_181 : memref<1000xi32, #tpu.memory_space<hbm>>) target(%arg6 : memref<1000xi32, #tpu.memory_space<vmem>>) target_semaphore(%run_scoped3A_177 : memref<!tpu.dma_semaphore, #tpu.memory_space<semaphore_mem>>)
      %dma_wait3A_182 = tpu.memref_slice %arg3[%run_scoped3A, %add3A_8] : memref<2x160000xi32, #tpu.memory_space<hbm>> -> memref<1x1000xi32, #tpu.memory_space<hbm>>
      %dma_wait3A_183 = tpu.memref_squeeze %dma_wait3A_182 : memref<1x1000xi32, #tpu.memory_space<hbm>> -> memref<1000xi32, #tpu.memory_space<hbm>>
      %dma_wait3A_184 = tpu.memref_slice %arg3[%run_scoped3A, %add3A_8] : memref<2x160000xi32, #tpu.memory_space<hbm>> -> memref<1x1000xi32, #tpu.memory_space<hbm>>
      %dma_wait3A_185 = tpu.memref_squeeze %dma_wait3A_184 : memref<1x1000xi32, #tpu.memory_space<hbm>> -> memref<1000xi32, #tpu.memory_space<hbm>>
      tpu.wait_dma2 semaphore(%run_scoped3A_177 : memref<!tpu.dma_semaphore, #tpu.memory_space<semaphore_mem>>) src(%dma_wait3A_185 : memref<1000xi32, #tpu.memory_space<hbm>>) dst(%arg6 : memref<1000xi32, #tpu.memory_space<vmem>>)
      tpu.yield
    }) : () -> ()
    %add3A_9 = arith.constant 1000 : i32
    %add3A_10 = arith.addi %mul3A_2, %add3A_9 : i32
    %run_scoped3A_11 = arith.constant 0 : i32
    "tpu.region"() ({
      %run_scoped3A_177 = tpu.sem_alloc : memref<!tpu.dma_semaphore, #tpu.memory_space<semaphore_mem>>
      %dma_start3A_178 = tpu.memref_slice %arg3[%run_scoped3A_11, %add3A_10] : memref<2x160000xi32, #tpu.memory_space<hbm>> -> memref<1x1000xi32, #tpu.memory_space<hbm>>
      %dma_start3A_179 = tpu.memref_squeeze %dma_start3A_178 : memref<1x1000xi32, #tpu.memory_space<hbm>> -> memref<1000xi32, #tpu.memory_space<hbm>>
      %dma_start3A_180 = tpu.memref_slice %arg3[%run_scoped3A_11, %add3A_10] : memref<2x160000xi32, #tpu.memory_space<hbm>> -> memref<1x1000xi32, #tpu.memory_space<hbm>>
      %dma_start3A_181 = tpu.memref_squeeze %dma_start3A_180 : memref<1x1000xi32, #tpu.memory_space<hbm>> -> memref<1000xi32, #tpu.memory_space<hbm>>
      tpu.enqueue_dma source(%dma_start3A_181 : memref<1000xi32, #tpu.memory_space<hbm>>) target(%arg7 : memref<1000xi32, #tpu.memory_space<vmem>>) target_semaphore(%run_scoped3A_177 : memref<!tpu.dma_semaphore, #tpu.memory_space<semaphore_mem>>)
      %dma_wait3A_182 = tpu.memref_slice %arg3[%run_scoped3A_11, %add3A_10] : memref<2x160000xi32, #tpu.memory_space<hbm>> -> memref<1x1000xi32, #tpu.memory_space<hbm>>
      %dma_wait3A_183 = tpu.memref_squeeze %dma_wait3A_182 : memref<1x1000xi32, #tpu.memory_space<hbm>> -> memref<1000xi32, #tpu.memory_space<hbm>>
      %dma_wait3A_184 = tpu.memref_slice %arg3[%run_scoped3A_11, %add3A_10] : memref<2x160000xi32, #tpu.memory_space<hbm>> -> memref<1x1000xi32, #tpu.memory_space<hbm>>
      %dma_wait3A_185 = tpu.memref_squeeze %dma_wait3A_184 : memref<1x1000xi32, #tpu.memory_space<hbm>> -> memref<1000xi32, #tpu.memory_space<hbm>>
      tpu.wait_dma2 semaphore(%run_scoped3A_177 : memref<!tpu.dma_semaphore, #tpu.memory_space<semaphore_mem>>) src(%dma_wait3A_185 : memref<1000xi32, #tpu.memory_space<hbm>>) dst(%arg7 : memref<1000xi32, #tpu.memory_space<vmem>>)
      tpu.yield
    }) : () -> ()
    %add3A_12 = arith.constant 2000 : i32
    %add3A_13 = arith.addi %mul3A_2, %add3A_12 : i32
    %run_scoped3A_14 = arith.constant 0 : i32
    "tpu.region"() ({
      %run_scoped3A_177 = tpu.sem_alloc : memref<!tpu.dma_semaphore, #tpu.memory_space<semaphore_mem>>
      %dma_start3A_178 = tpu.memref_slice %arg3[%run_scoped3A_14, %add3A_13] : memref<2x160000xi32, #tpu.memory_space<hbm>> -> memref<1x1000xi32, #tpu.memory_space<hbm>>
      %dma_start3A_179 = tpu.memref_squeeze %dma_start3A_178 : memref<1x1000xi32, #tpu.memory_space<hbm>> -> memref<1000xi32, #tpu.memory_space<hbm>>
      %dma_start3A_180 = tpu.memref_slice %arg3[%run_scoped3A_14, %add3A_13] : memref<2x160000xi32, #tpu.memory_space<hbm>> -> memref<1x1000xi32, #tpu.memory_space<hbm>>
      %dma_start3A_181 = tpu.memref_squeeze %dma_start3A_180 : memref<1x1000xi32, #tpu.memory_space<hbm>> -> memref<1000xi32, #tpu.memory_space<hbm>>
      tpu.enqueue_dma source(%dma_start3A_181 : memref<1000xi32, #tpu.memory_space<hbm>>) target(%arg8 : memref<1000xi32, #tpu.memory_space<vmem>>) target_semaphore(%run_scoped3A_177 : memref<!tpu.dma_semaphore, #tpu.memory_space<semaphore_mem>>)
      %dma_wait3A_182 = tpu.memref_slice %arg3[%run_scoped3A_14, %add3A_13] : memref<2x160000xi32, #tpu.memory_space<hbm>> -> memref<1x1000xi32, #tpu.memory_space<hbm>>
      %dma_wait3A_183 = tpu.memref_squeeze %dma_wait3A_182 : memref<1x1000xi32, #tpu.memory_space<hbm>> -> memref<1000xi32, #tpu.memory_space<hbm>>
      %dma_wait3A_184 = tpu.memref_slice %arg3[%run_scoped3A_14, %add3A_13] : memref<2x160000xi32, #tpu.memory_space<hbm>> -> memref<1x1000xi32, #tpu.memory_space<hbm>>
      %dma_wait3A_185 = tpu.memref_squeeze %dma_wait3A_184 : memref<1x1000xi32, #tpu.memory_space<hbm>> -> memref<1000xi32, #tpu.memory_space<hbm>>
      tpu.wait_dma2 semaphore(%run_scoped3A_177 : memref<!tpu.dma_semaphore, #tpu.memory_space<semaphore_mem>>) src(%dma_wait3A_185 : memref<1000xi32, #tpu.memory_space<hbm>>) dst(%arg8 : memref<1000xi32, #tpu.memory_space<vmem>>)
      tpu.yield
    }) : () -> ()
    %add3A_15 = arith.constant 3000 : i32
    %add3A_16 = arith.addi %mul3A_2, %add3A_15 : i32
    %run_scoped3A_17 = arith.constant 0 : i32
    "tpu.region"() ({
      %run_scoped3A_177 = tpu.sem_alloc : memref<!tpu.dma_semaphore, #tpu.memory_space<semaphore_mem>>
      %dma_start3A_178 = tpu.memref_slice %arg3[%run_scoped3A_17, %add3A_16] : memref<2x160000xi32, #tpu.memory_space<hbm>> -> memref<1x1000xi32, #tpu.memory_space<hbm>>
      %dma_start3A_179 = tpu.memref_squeeze %dma_start3A_178 : memref<1x1000xi32, #tpu.memory_space<hbm>> -> memref<1000xi32, #tpu.memory_space<hbm>>
      %dma_start3A_180 = tpu.memref_slice %arg3[%run_scoped3A_17, %add3A_16] : memref<2x160000xi32, #tpu.memory_space<hbm>> -> memref<1x1000xi32, #tpu.memory_space<hbm>>
      %dma_start3A_181 = tpu.memref_squeeze %dma_start3A_180 : memref<1x1000xi32, #tpu.memory_space<hbm>> -> memref<1000xi32, #tpu.memory_space<hbm>>
      tpu.enqueue_dma source(%dma_start3A_181 : memref<1000xi32, #tpu.memory_space<hbm>>) target(%arg9 : memref<1000xi32, #tpu.memory_space<vmem>>) target_semaphore(%run_scoped3A_177 : memref<!tpu.dma_semaphore, #tpu.memory_space<semaphore_mem>>)
      %dma_wait3A_182 = tpu.memref_slice %arg3[%run_scoped3A_17, %add3A_16] : memref<2x160000xi32, #tpu.memory_space<hbm>> -> memref<1x1000xi32, #tpu.memory_space<hbm>>
      %dma_wait3A_183 = tpu.memref_squeeze %dma_wait3A_182 : memref<1x1000xi32, #tpu.memory_space<hbm>> -> memref<1000xi32, #tpu.memory_space<hbm>>
      %dma_wait3A_184 = tpu.memref_slice %arg3[%run_scoped3A_17, %add3A_16] : memref<2x160000xi32, #tpu.memory_space<hbm>> -> memref<1x1000xi32, #tpu.memory_space<hbm>>
      %dma_wait3A_185 = tpu.memref_squeeze %dma_wait3A_184 : memref<1x1000xi32, #tpu.memory_space<hbm>> -> memref<1000xi32, #tpu.memory_space<hbm>>
      tpu.wait_dma2 semaphore(%run_scoped3A_177 : memref<!tpu.dma_semaphore, #tpu.memory_space<semaphore_mem>>) src(%dma_wait3A_185 : memref<1000xi32, #tpu.memory_space<hbm>>) dst(%arg9 : memref<1000xi32, #tpu.memory_space<vmem>>)
      tpu.yield
    }) : () -> ()
    %add3A_18 = arith.constant 4000 : i32
    %add3A_19 = arith.addi %mul3A_2, %add3A_18 : i32
    %run_scoped3A_20 = arith.constant 0 : i32
    "tpu.region"() ({
      %run_scoped3A_177 = tpu.sem_alloc : memref<!tpu.dma_semaphore, #tpu.memory_space<semaphore_mem>>
      %dma_start3A_178 = tpu.memref_slice %arg3[%run_scoped3A_20, %add3A_19] : memref<2x160000xi32, #tpu.memory_space<hbm>> -> memref<1x1000xi32, #tpu.memory_space<hbm>>
      %dma_start3A_179 = tpu.memref_squeeze %dma_start3A_178 : memref<1x1000xi32, #tpu.memory_space<hbm>> -> memref<1000xi32, #tpu.memory_space<hbm>>
      %dma_start3A_180 = tpu.memref_slice %arg3[%run_scoped3A_20, %add3A_19] : memref<2x160000xi32, #tpu.memory_space<hbm>> -> memref<1x1000xi32, #tpu.memory_space<hbm>>
      %dma_start3A_181 = tpu.memref_squeeze %dma_start3A_180 : memref<1x1000xi32, #tpu.memory_space<hbm>> -> memref<1000xi32, #tpu.memory_space<hbm>>
      tpu.enqueue_dma source(%dma_start3A_181 : memref<1000xi32, #tpu.memory_space<hbm>>) target(%arg10 : memref<1000xi32, #tpu.memory_space<vmem>>) target_semaphore(%run_scoped3A_177 : memref<!tpu.dma_semaphore, #tpu.memory_space<semaphore_mem>>)
      %dma_wait3A_182 = tpu.memref_slice %arg3[%run_scoped3A_20, %add3A_19] : memref<2x160000xi32, #tpu.memory_space<hbm>> -> memref<1x1000xi32, #tpu.memory_space<hbm>>
      %dma_wait3A_183 = tpu.memref_squeeze %dma_wait3A_182 : memref<1x1000xi32, #tpu.memory_space<hbm>> -> memref<1000xi32, #tpu.memory_space<hbm>>
      %dma_wait3A_184 = tpu.memref_slice %arg3[%run_scoped3A_20, %add3A_19] : memref<2x160000xi32, #tpu.memory_space<hbm>> -> memref<1x1000xi32, #tpu.memory_space<hbm>>
      %dma_wait3A_185 = tpu.memref_squeeze %dma_wait3A_184 : memref<1x1000xi32, #tpu.memory_space<hbm>> -> memref<1000xi32, #tpu.memory_space<hbm>>
      tpu.wait_dma2 semaphore(%run_scoped3A_177 : memref<!tpu.dma_semaphore, #tpu.memory_space<semaphore_mem>>) src(%dma_wait3A_185 : memref<1000xi32, #tpu.memory_space<hbm>>) dst(%arg10 : memref<1000xi32, #tpu.memory_space<vmem>>)
      tpu.yield
    }) : () -> ()
    %barrier3A = arith.constant 0 : index
    tpu.barrier barrier_id(%barrier3A)
    %dma_start3A = arith.constant 0 : i32
    %dma_start3A_21 = arith.constant 0 : i32
    %dma_start3A_22 = arith.constant 0 : i32
    %dma_start3A_23 = tpu.memref_slice %arg11[%dma_start3A, %dma_start3A_21, %dma_start3A_22] : memref<2x1000x32xf32, #tpu.memory_space<vmem>> -> memref<1x1000x32xf32, #tpu.memory_space<vmem>>
    %dma_start3A_24 = tpu.memref_squeeze %dma_start3A_23 : memref<1x1000x32xf32, #tpu.memory_space<vmem>> -> memref<1000x32xf32, #tpu.memory_space<vmem>>
    %dma_start3A_25 = arith.constant 0 : i32
    %dma_start3A_26 = tpu.memref_slice %arg2[%mul3A_2, %dma_start3A_25] : memref<160000x32xf32, #tpu.memory_space<hbm>> -> memref<1000x32xf32, #tpu.memory_space<hbm>>
    %dma_start3A_27 = arith.constant 0 : i32
    %dma_start3A_28 = arith.constant 0 : i32
    %dma_start3A_29 = tpu.memref_slice %arg11[%dma_start3A, %dma_start3A_27, %dma_start3A_28] : memref<2x1000x32xf32, #tpu.memory_space<vmem>> -> memref<1x1000x32xf32, #tpu.memory_space<vmem>>
    %dma_start3A_30 = tpu.memref_squeeze %dma_start3A_29 : memref<1x1000x32xf32, #tpu.memory_space<vmem>> -> memref<1000x32xf32, #tpu.memory_space<vmem>>
    %dma_start3A_31 = arith.constant 0 : i32
    %dma_start3A_32 = tpu.memref_slice %arg2[%mul3A_2, %dma_start3A_31] : memref<160000x32xf32, #tpu.memory_space<hbm>> -> memref<1000x32xf32, #tpu.memory_space<hbm>>
    tpu.enqueue_dma source(%dma_start3A_32 : memref<1000x32xf32, #tpu.memory_space<hbm>>) target(%dma_start3A_30 : memref<1000x32xf32, #tpu.memory_space<vmem>>) target_semaphore(%arg13 : memref<!tpu.dma_semaphore, #tpu.memory_space<semaphore_mem>>)
    %add3A_33 = arith.constant 1000 : i32
    %add3A_34 = arith.addi %mul3A_2, %add3A_33 : i32
    %dma_start3A_35 = arith.constant 1 : i32
    %dma_start3A_36 = arith.constant 0 : i32
    %dma_start3A_37 = arith.constant 0 : i32
    %dma_start3A_38 = tpu.memref_slice %arg11[%dma_start3A_35, %dma_start3A_36, %dma_start3A_37] : memref<2x1000x32xf32, #tpu.memory_space<vmem>> -> memref<1x1000x32xf32, #tpu.memory_space<vmem>>
    %dma_start3A_39 = tpu.memref_squeeze %dma_start3A_38 : memref<1x1000x32xf32, #tpu.memory_space<vmem>> -> memref<1000x32xf32, #tpu.memory_space<vmem>>
    %dma_start3A_40 = arith.constant 0 : i32
    %dma_start3A_41 = tpu.memref_slice %arg2[%add3A_34, %dma_start3A_40] : memref<160000x32xf32, #tpu.memory_space<hbm>> -> memref<1000x32xf32, #tpu.memory_space<hbm>>
    %dma_start3A_42 = arith.constant 0 : i32
    %dma_start3A_43 = arith.constant 0 : i32
    %dma_start3A_44 = tpu.memref_slice %arg11[%dma_start3A_35, %dma_start3A_42, %dma_start3A_43] : memref<2x1000x32xf32, #tpu.memory_space<vmem>> -> memref<1x1000x32xf32, #tpu.memory_space<vmem>>
    %dma_start3A_45 = tpu.memref_squeeze %dma_start3A_44 : memref<1x1000x32xf32, #tpu.memory_space<vmem>> -> memref<1000x32xf32, #tpu.memory_space<vmem>>
    %dma_start3A_46 = arith.constant 0 : i32
    %dma_start3A_47 = tpu.memref_slice %arg2[%add3A_34, %dma_start3A_46] : memref<160000x32xf32, #tpu.memory_space<hbm>> -> memref<1000x32xf32, #tpu.memory_space<hbm>>
    tpu.enqueue_dma source(%dma_start3A_47 : memref<1000x32xf32, #tpu.memory_space<hbm>>) target(%dma_start3A_45 : memref<1000x32xf32, #tpu.memory_space<vmem>>) target_semaphore(%arg14 : memref<!tpu.dma_semaphore, #tpu.memory_space<semaphore_mem>>)
    %add3A_48 = arith.constant 0 : i32
    %add3A_49 = arith.addi %mul3A_2, %add3A_48 : i32
    %dma_wait3A = arith.constant 0 : i32
    %dma_wait3A_50 = arith.constant 0 : i32
    %dma_wait3A_51 = arith.constant 0 : i32
    %dma_wait3A_52 = tpu.memref_slice %arg11[%dma_wait3A, %dma_wait3A_50, %dma_wait3A_51] : memref<2x1000x32xf32, #tpu.memory_space<vmem>> -> memref<1x1000x32xf32, #tpu.memory_space<vmem>>
    %dma_wait3A_53 = tpu.memref_squeeze %dma_wait3A_52 : memref<1x1000x32xf32, #tpu.memory_space<vmem>> -> memref<1000x32xf32, #tpu.memory_space<vmem>>
    %dma_wait3A_54 = arith.constant 0 : i32
    %dma_wait3A_55 = tpu.memref_slice %arg2[%add3A_49, %dma_wait3A_54] : memref<160000x32xf32, #tpu.memory_space<hbm>> -> memref<1000x32xf32, #tpu.memory_space<hbm>>
    %dma_wait3A_56 = arith.constant 0 : i32
    %dma_wait3A_57 = arith.constant 0 : i32
    %dma_wait3A_58 = tpu.memref_slice %arg11[%dma_wait3A, %dma_wait3A_56, %dma_wait3A_57] : memref<2x1000x32xf32, #tpu.memory_space<vmem>> -> memref<1x1000x32xf32, #tpu.memory_space<vmem>>
    %dma_wait3A_59 = tpu.memref_squeeze %dma_wait3A_58 : memref<1x1000x32xf32, #tpu.memory_space<vmem>> -> memref<1000x32xf32, #tpu.memory_space<vmem>>
    %dma_wait3A_60 = arith.constant 0 : i32
    %dma_wait3A_61 = tpu.memref_slice %arg2[%add3A_49, %dma_wait3A_60] : memref<160000x32xf32, #tpu.memory_space<hbm>> -> memref<1000x32xf32, #tpu.memory_space<hbm>>
    tpu.wait_dma2 semaphore(%arg13 : memref<!tpu.dma_semaphore, #tpu.memory_space<semaphore_mem>>) src(%dma_wait3A_61 : memref<1000x32xf32, #tpu.memory_space<hbm>>) dst(%dma_wait3A_59 : memref<1000x32xf32, #tpu.memory_space<vmem>>)
    %run_scoped3A_62 = arith.constant 0 : i32
    "tpu.region"() ({
      %run_scoped3A_177 = tpu.sem_alloc : memref<!tpu.dma_semaphore, #tpu.memory_space<semaphore_mem>>
      %dma_start3A_178 = arith.constant 0 : i32
      %dma_start3A_179 = arith.constant 0 : i32
      %dma_start3A_180 = tpu.memref_slice %arg11[%run_scoped3A_62, %dma_start3A_178, %dma_start3A_179] : memref<2x1000x32xf32, #tpu.memory_space<vmem>> -> memref<1x1000x32xf32, #tpu.memory_space<vmem>>
      %dma_start3A_181 = tpu.memref_squeeze %dma_start3A_180 : memref<1x1000x32xf32, #tpu.memory_space<vmem>> -> memref<1000x32xf32, #tpu.memory_space<vmem>>
      %dma_start3A_182 = arith.constant 0 : i32
      %dma_start3A_183 = arith.constant 0 : i32
      %dma_start3A_184 = tpu.memref_slice %arg12[%dma_start3A_182, %dma_start3A_183] : memref<10000x32xf32, #tpu.memory_space<vmem_shared>> -> memref<10000x32xf32, #tpu.memory_space<vmem_shared>>
      tpu.enqueue_indirect_dma source(%dma_start3A_181 : memref<1000x32xf32, #tpu.memory_space<vmem>>) target(%dma_start3A_184 : memref<10000x32xf32, #tpu.memory_space<vmem_shared>>) offsets(%arg6 : memref<1000xi32, #tpu.memory_space<vmem>>) semaphore(%run_scoped3A_177 : memref<!tpu.dma_semaphore, #tpu.memory_space<semaphore_mem>>) {add = true}
      %dma_wait3A_185 = arith.constant 0 : i32
      %dma_wait3A_186 = arith.constant 0 : i32
      %dma_wait3A_187 = tpu.memref_slice %arg11[%run_scoped3A_62, %dma_wait3A_185, %dma_wait3A_186] : memref<2x1000x32xf32, #tpu.memory_space<vmem>> -> memref<1x1000x32xf32, #tpu.memory_space<vmem>>
      %dma_wait3A_188 = tpu.memref_squeeze %dma_wait3A_187 : memref<1x1000x32xf32, #tpu.memory_space<vmem>> -> memref<1000x32xf32, #tpu.memory_space<vmem>>
      %dma_wait3A_189 = arith.constant 0 : i32
      %dma_wait3A_190 = arith.constant 0 : i32
      %dma_wait3A_191 = tpu.memref_slice %arg12[%dma_wait3A_189, %dma_wait3A_190] : memref<10000x32xf32, #tpu.memory_space<vmem_shared>> -> memref<10000x32xf32, #tpu.memory_space<vmem_shared>>
      tpu.wait_indirect_dma semaphore(%run_scoped3A_177 : memref<!tpu.dma_semaphore, #tpu.memory_space<semaphore_mem>>) src(%dma_wait3A_188 : memref<1000x32xf32, #tpu.memory_space<vmem>>) dst(%dma_wait3A_191 : memref<10000x32xf32, #tpu.memory_space<vmem_shared>>)
      tpu.yield
    }) : () -> ()
    %add3A_63 = arith.constant 2000 : i32
    %add3A_64 = arith.addi %mul3A_2, %add3A_63 : i32
    %dma_start3A_65 = arith.constant 0 : i32
    %dma_start3A_66 = arith.constant 0 : i32
    %dma_start3A_67 = arith.constant 0 : i32
    %dma_start3A_68 = tpu.memref_slice %arg11[%dma_start3A_65, %dma_start3A_66, %dma_start3A_67] : memref<2x1000x32xf32, #tpu.memory_space<vmem>> -> memref<1x1000x32xf32, #tpu.memory_space<vmem>>
    %dma_start3A_69 = tpu.memref_squeeze %dma_start3A_68 : memref<1x1000x32xf32, #tpu.memory_space<vmem>> -> memref<1000x32xf32, #tpu.memory_space<vmem>>
    %dma_start3A_70 = arith.constant 0 : i32
    %dma_start3A_71 = tpu.memref_slice %arg2[%add3A_64, %dma_start3A_70] : memref<160000x32xf32, #tpu.memory_space<hbm>> -> memref<1000x32xf32, #tpu.memory_space<hbm>>
    %dma_start3A_72 = arith.constant 0 : i32
    %dma_start3A_73 = arith.constant 0 : i32
    %dma_start3A_74 = tpu.memref_slice %arg11[%dma_start3A_65, %dma_start3A_72, %dma_start3A_73] : memref<2x1000x32xf32, #tpu.memory_space<vmem>> -> memref<1x1000x32xf32, #tpu.memory_space<vmem>>
    %dma_start3A_75 = tpu.memref_squeeze %dma_start3A_74 : memref<1x1000x32xf32, #tpu.memory_space<vmem>> -> memref<1000x32xf32, #tpu.memory_space<vmem>>
    %dma_start3A_76 = arith.constant 0 : i32
    %dma_start3A_77 = tpu.memref_slice %arg2[%add3A_64, %dma_start3A_76] : memref<160000x32xf32, #tpu.memory_space<hbm>> -> memref<1000x32xf32, #tpu.memory_space<hbm>>
    tpu.enqueue_dma source(%dma_start3A_77 : memref<1000x32xf32, #tpu.memory_space<hbm>>) target(%dma_start3A_75 : memref<1000x32xf32, #tpu.memory_space<vmem>>) target_semaphore(%arg13 : memref<!tpu.dma_semaphore, #tpu.memory_space<semaphore_mem>>)
    %add3A_78 = arith.constant 1000 : i32
    %add3A_79 = arith.addi %mul3A_2, %add3A_78 : i32
    %dma_wait3A_80 = arith.constant 1 : i32
    %dma_wait3A_81 = arith.constant 0 : i32
    %dma_wait3A_82 = arith.constant 0 : i32
    %dma_wait3A_83 = tpu.memref_slice %arg11[%dma_wait3A_80, %dma_wait3A_81, %dma_wait3A_82] : memref<2x1000x32xf32, #tpu.memory_space<vmem>> -> memref<1x1000x32xf32, #tpu.memory_space<vmem>>
    %dma_wait3A_84 = tpu.memref_squeeze %dma_wait3A_83 : memref<1x1000x32xf32, #tpu.memory_space<vmem>> -> memref<1000x32xf32, #tpu.memory_space<vmem>>
    %dma_wait3A_85 = arith.constant 0 : i32
    %dma_wait3A_86 = tpu.memref_slice %arg2[%add3A_79, %dma_wait3A_85] : memref<160000x32xf32, #tpu.memory_space<hbm>> -> memref<1000x32xf32, #tpu.memory_space<hbm>>
    %dma_wait3A_87 = arith.constant 0 : i32
    %dma_wait3A_88 = arith.constant 0 : i32
    %dma_wait3A_89 = tpu.memref_slice %arg11[%dma_wait3A_80, %dma_wait3A_87, %dma_wait3A_88] : memref<2x1000x32xf32, #tpu.memory_space<vmem>> -> memref<1x1000x32xf32, #tpu.memory_space<vmem>>
    %dma_wait3A_90 = tpu.memref_squeeze %dma_wait3A_89 : memref<1x1000x32xf32, #tpu.memory_space<vmem>> -> memref<1000x32xf32, #tpu.memory_space<vmem>>
    %dma_wait3A_91 = arith.constant 0 : i32
    %dma_wait3A_92 = tpu.memref_slice %arg2[%add3A_79, %dma_wait3A_91] : memref<160000x32xf32, #tpu.memory_space<hbm>> -> memref<1000x32xf32, #tpu.memory_space<hbm>>
    tpu.wait_dma2 semaphore(%arg14 : memref<!tpu.dma_semaphore, #tpu.memory_space<semaphore_mem>>) src(%dma_wait3A_92 : memref<1000x32xf32, #tpu.memory_space<hbm>>) dst(%dma_wait3A_90 : memref<1000x32xf32, #tpu.memory_space<vmem>>)
    %run_scoped3A_93 = arith.constant 1 : i32
    "tpu.region"() ({
      %run_scoped3A_177 = tpu.sem_alloc : memref<!tpu.dma_semaphore, #tpu.memory_space<semaphore_mem>>
      %dma_start3A_178 = arith.constant 0 : i32
      %dma_start3A_179 = arith.constant 0 : i32
      %dma_start3A_180 = tpu.memref_slice %arg11[%run_scoped3A_93, %dma_start3A_178, %dma_start3A_179] : memref<2x1000x32xf32, #tpu.memory_space<vmem>> -> memref<1x1000x32xf32, #tpu.memory_space<vmem>>
      %dma_start3A_181 = tpu.memref_squeeze %dma_start3A_180 : memref<1x1000x32xf32, #tpu.memory_space<vmem>> -> memref<1000x32xf32, #tpu.memory_space<vmem>>
      %dma_start3A_182 = arith.constant 0 : i32
      %dma_start3A_183 = arith.constant 0 : i32
      %dma_start3A_184 = tpu.memref_slice %arg12[%dma_start3A_182, %dma_start3A_183] : memref<10000x32xf32, #tpu.memory_space<vmem_shared>> -> memref<10000x32xf32, #tpu.memory_space<vmem_shared>>
      tpu.enqueue_indirect_dma source(%dma_start3A_181 : memref<1000x32xf32, #tpu.memory_space<vmem>>) target(%dma_start3A_184 : memref<10000x32xf32, #tpu.memory_space<vmem_shared>>) offsets(%arg7 : memref<1000xi32, #tpu.memory_space<vmem>>) semaphore(%run_scoped3A_177 : memref<!tpu.dma_semaphore, #tpu.memory_space<semaphore_mem>>) {add = true}
      %dma_wait3A_185 = arith.constant 0 : i32
      %dma_wait3A_186 = arith.constant 0 : i32
      %dma_wait3A_187 = tpu.memref_slice %arg11[%run_scoped3A_93, %dma_wait3A_185, %dma_wait3A_186] : memref<2x1000x32xf32, #tpu.memory_space<vmem>> -> memref<1x1000x32xf32, #tpu.memory_space<vmem>>
      %dma_wait3A_188 = tpu.memref_squeeze %dma_wait3A_187 : memref<1x1000x32xf32, #tpu.memory_space<vmem>> -> memref<1000x32xf32, #tpu.memory_space<vmem>>
      %dma_wait3A_189 = arith.constant 0 : i32
      %dma_wait3A_190 = arith.constant 0 : i32
      %dma_wait3A_191 = tpu.memref_slice %arg12[%dma_wait3A_189, %dma_wait3A_190] : memref<10000x32xf32, #tpu.memory_space<vmem_shared>> -> memref<10000x32xf32, #tpu.memory_space<vmem_shared>>
      tpu.wait_indirect_dma semaphore(%run_scoped3A_177 : memref<!tpu.dma_semaphore, #tpu.memory_space<semaphore_mem>>) src(%dma_wait3A_188 : memref<1000x32xf32, #tpu.memory_space<vmem>>) dst(%dma_wait3A_191 : memref<10000x32xf32, #tpu.memory_space<vmem_shared>>)
      tpu.yield
    }) : () -> ()
    %add3A_94 = arith.constant 3000 : i32
    %add3A_95 = arith.addi %mul3A_2, %add3A_94 : i32
    %dma_start3A_96 = arith.constant 1 : i32
    %dma_start3A_97 = arith.constant 0 : i32
    %dma_start3A_98 = arith.constant 0 : i32
    %dma_start3A_99 = tpu.memref_slice %arg11[%dma_start3A_96, %dma_start3A_97, %dma_start3A_98] : memref<2x1000x32xf32, #tpu.memory_space<vmem>> -> memref<1x1000x32xf32, #tpu.memory_space<vmem>>
    %dma_start3A_100 = tpu.memref_squeeze %dma_start3A_99 : memref<1x1000x32xf32, #tpu.memory_space<vmem>> -> memref<1000x32xf32, #tpu.memory_space<vmem>>
    %dma_start3A_101 = arith.constant 0 : i32
    %dma_start3A_102 = tpu.memref_slice %arg2[%add3A_95, %dma_start3A_101] : memref<160000x32xf32, #tpu.memory_space<hbm>> -> memref<1000x32xf32, #tpu.memory_space<hbm>>
    %dma_start3A_103 = arith.constant 0 : i32
    %dma_start3A_104 = arith.constant 0 : i32
    %dma_start3A_105 = tpu.memref_slice %arg11[%dma_start3A_96, %dma_start3A_103, %dma_start3A_104] : memref<2x1000x32xf32, #tpu.memory_space<vmem>> -> memref<1x1000x32xf32, #tpu.memory_space<vmem>>
    %dma_start3A_106 = tpu.memref_squeeze %dma_start3A_105 : memref<1x1000x32xf32, #tpu.memory_space<vmem>> -> memref<1000x32xf32, #tpu.memory_space<vmem>>
    %dma_start3A_107 = arith.constant 0 : i32
    %dma_start3A_108 = tpu.memref_slice %arg2[%add3A_95, %dma_start3A_107] : memref<160000x32xf32, #tpu.memory_space<hbm>> -> memref<1000x32xf32, #tpu.memory_space<hbm>>
    tpu.enqueue_dma source(%dma_start3A_108 : memref<1000x32xf32, #tpu.memory_space<hbm>>) target(%dma_start3A_106 : memref<1000x32xf32, #tpu.memory_space<vmem>>) target_semaphore(%arg14 : memref<!tpu.dma_semaphore, #tpu.memory_space<semaphore_mem>>)
    %add3A_109 = arith.constant 2000 : i32
    %add3A_110 = arith.addi %mul3A_2, %add3A_109 : i32
    %dma_wait3A_111 = arith.constant 0 : i32
    %dma_wait3A_112 = arith.constant 0 : i32
    %dma_wait3A_113 = arith.constant 0 : i32
    %dma_wait3A_114 = tpu.memref_slice %arg11[%dma_wait3A_111, %dma_wait3A_112, %dma_wait3A_113] : memref<2x1000x32xf32, #tpu.memory_space<vmem>> -> memref<1x1000x32xf32, #tpu.memory_space<vmem>>
    %dma_wait3A_115 = tpu.memref_squeeze %dma_wait3A_114 : memref<1x1000x32xf32, #tpu.memory_space<vmem>> -> memref<1000x32xf32, #tpu.memory_space<vmem>>
    %dma_wait3A_116 = arith.constant 0 : i32
    %dma_wait3A_117 = tpu.memref_slice %arg2[%add3A_110, %dma_wait3A_116] : memref<160000x32xf32, #tpu.memory_space<hbm>> -> memref<1000x32xf32, #tpu.memory_space<hbm>>
    %dma_wait3A_118 = arith.constant 0 : i32
    %dma_wait3A_119 = arith.constant 0 : i32
    %dma_wait3A_120 = tpu.memref_slice %arg11[%dma_wait3A_111, %dma_wait3A_118, %dma_wait3A_119] : memref<2x1000x32xf32, #tpu.memory_space<vmem>> -> memref<1x1000x32xf32, #tpu.memory_space<vmem>>
    %dma_wait3A_121 = tpu.memref_squeeze %dma_wait3A_120 : memref<1x1000x32xf32, #tpu.memory_space<vmem>> -> memref<1000x32xf32, #tpu.memory_space<vmem>>
    %dma_wait3A_122 = arith.constant 0 : i32
    %dma_wait3A_123 = tpu.memref_slice %arg2[%add3A_110, %dma_wait3A_122] : memref<160000x32xf32, #tpu.memory_space<hbm>> -> memref<1000x32xf32, #tpu.memory_space<hbm>>
    tpu.wait_dma2 semaphore(%arg13 : memref<!tpu.dma_semaphore, #tpu.memory_space<semaphore_mem>>) src(%dma_wait3A_123 : memref<1000x32xf32, #tpu.memory_space<hbm>>) dst(%dma_wait3A_121 : memref<1000x32xf32, #tpu.memory_space<vmem>>)
    %run_scoped3A_124 = arith.constant 0 : i32
    "tpu.region"() ({
      %run_scoped3A_177 = tpu.sem_alloc : memref<!tpu.dma_semaphore, #tpu.memory_space<semaphore_mem>>
      %dma_start3A_178 = arith.constant 0 : i32
      %dma_start3A_179 = arith.constant 0 : i32
      %dma_start3A_180 = tpu.memref_slice %arg11[%run_scoped3A_124, %dma_start3A_178, %dma_start3A_179] : memref<2x1000x32xf32, #tpu.memory_space<vmem>> -> memref<1x1000x32xf32, #tpu.memory_space<vmem>>
      %dma_start3A_181 = tpu.memref_squeeze %dma_start3A_180 : memref<1x1000x32xf32, #tpu.memory_space<vmem>> -> memref<1000x32xf32, #tpu.memory_space<vmem>>
      %dma_start3A_182 = arith.constant 0 : i32
      %dma_start3A_183 = arith.constant 0 : i32
      %dma_start3A_184 = tpu.memref_slice %arg12[%dma_start3A_182, %dma_start3A_183] : memref<10000x32xf32, #tpu.memory_space<vmem_shared>> -> memref<10000x32xf32, #tpu.memory_space<vmem_shared>>
      tpu.enqueue_indirect_dma source(%dma_start3A_181 : memref<1000x32xf32, #tpu.memory_space<vmem>>) target(%dma_start3A_184 : memref<10000x32xf32, #tpu.memory_space<vmem_shared>>) offsets(%arg8 : memref<1000xi32, #tpu.memory_space<vmem>>) semaphore(%run_scoped3A_177 : memref<!tpu.dma_semaphore, #tpu.memory_space<semaphore_mem>>) {add = true}
      %dma_wait3A_185 = arith.constant 0 : i32
      %dma_wait3A_186 = arith.constant 0 : i32
      %dma_wait3A_187 = tpu.memref_slice %arg11[%run_scoped3A_124, %dma_wait3A_185, %dma_wait3A_186] : memref<2x1000x32xf32, #tpu.memory_space<vmem>> -> memref<1x1000x32xf32, #tpu.memory_space<vmem>>
      %dma_wait3A_188 = tpu.memref_squeeze %dma_wait3A_187 : memref<1x1000x32xf32, #tpu.memory_space<vmem>> -> memref<1000x32xf32, #tpu.memory_space<vmem>>
      %dma_wait3A_189 = arith.constant 0 : i32
      %dma_wait3A_190 = arith.constant 0 : i32
      %dma_wait3A_191 = tpu.memref_slice %arg12[%dma_wait3A_189, %dma_wait3A_190] : memref<10000x32xf32, #tpu.memory_space<vmem_shared>> -> memref<10000x32xf32, #tpu.memory_space<vmem_shared>>
      tpu.wait_indirect_dma semaphore(%run_scoped3A_177 : memref<!tpu.dma_semaphore, #tpu.memory_space<semaphore_mem>>) src(%dma_wait3A_188 : memref<1000x32xf32, #tpu.memory_space<vmem>>) dst(%dma_wait3A_191 : memref<10000x32xf32, #tpu.memory_space<vmem_shared>>)
      tpu.yield
    }) : () -> ()
    %add3A_125 = arith.constant 4000 : i32
    %add3A_126 = arith.addi %mul3A_2, %add3A_125 : i32
    %dma_start3A_127 = arith.constant 0 : i32
    %dma_start3A_128 = arith.constant 0 : i32
    %dma_start3A_129 = arith.constant 0 : i32
    %dma_start3A_130 = tpu.memref_slice %arg11[%dma_start3A_127, %dma_start3A_128, %dma_start3A_129] : memref<2x1000x32xf32, #tpu.memory_space<vmem>> -> memref<1x1000x32xf32, #tpu.memory_space<vmem>>
    %dma_start3A_131 = tpu.memref_squeeze %dma_start3A_130 : memref<1x1000x32xf32, #tpu.memory_space<vmem>> -> memref<1000x32xf32, #tpu.memory_space<vmem>>
    %dma_start3A_132 = arith.constant 0 : i32
    %dma_start3A_133 = tpu.memref_slice %arg2[%add3A_126, %dma_start3A_132] : memref<160000x32xf32, #tpu.memory_space<hbm>> -> memref<1000x32xf32, #tpu.memory_space<hbm>>
    %dma_start3A_134 = arith.constant 0 : i32
    %dma_start3A_135 = arith.constant 0 : i32
    %dma_start3A_136 = tpu.memref_slice %arg11[%dma_start3A_127, %dma_start3A_134, %dma_start3A_135] : memref<2x1000x32xf32, #tpu.memory_space<vmem>> -> memref<1x1000x32xf32, #tpu.memory_space<vmem>>
    %dma_start3A_137 = tpu.memref_squeeze %dma_start3A_136 : memref<1x1000x32xf32, #tpu.memory_space<vmem>> -> memref<1000x32xf32, #tpu.memory_space<vmem>>
    %dma_start3A_138 = arith.constant 0 : i32
    %dma_start3A_139 = tpu.memref_slice %arg2[%add3A_126, %dma_start3A_138] : memref<160000x32xf32, #tpu.memory_space<hbm>> -> memref<1000x32xf32, #tpu.memory_space<hbm>>
    tpu.enqueue_dma source(%dma_start3A_139 : memref<1000x32xf32, #tpu.memory_space<hbm>>) target(%dma_start3A_137 : memref<1000x32xf32, #tpu.memory_space<vmem>>) target_semaphore(%arg13 : memref<!tpu.dma_semaphore, #tpu.memory_space<semaphore_mem>>)
    %add3A_140 = arith.constant 3000 : i32
    %add3A_141 = arith.addi %mul3A_2, %add3A_140 : i32
    %dma_wait3A_142 = arith.constant 1 : i32
    %dma_wait3A_143 = arith.constant 0 : i32
    %dma_wait3A_144 = arith.constant 0 : i32
    %dma_wait3A_145 = tpu.memref_slice %arg11[%dma_wait3A_142, %dma_wait3A_143, %dma_wait3A_144] : memref<2x1000x32xf32, #tpu.memory_space<vmem>> -> memref<1x1000x32xf32, #tpu.memory_space<vmem>>
    %dma_wait3A_146 = tpu.memref_squeeze %dma_wait3A_145 : memref<1x1000x32xf32, #tpu.memory_space<vmem>> -> memref<1000x32xf32, #tpu.memory_space<vmem>>
    %dma_wait3A_147 = arith.constant 0 : i32
    %dma_wait3A_148 = tpu.memref_slice %arg2[%add3A_141, %dma_wait3A_147] : memref<160000x32xf32, #tpu.memory_space<hbm>> -> memref<1000x32xf32, #tpu.memory_space<hbm>>
    %dma_wait3A_149 = arith.constant 0 : i32
    %dma_wait3A_150 = arith.constant 0 : i32
    %dma_wait3A_151 = tpu.memref_slice %arg11[%dma_wait3A_142, %dma_wait3A_149, %dma_wait3A_150] : memref<2x1000x32xf32, #tpu.memory_space<vmem>> -> memref<1x1000x32xf32, #tpu.memory_space<vmem>>
    %dma_wait3A_152 = tpu.memref_squeeze %dma_wait3A_151 : memref<1x1000x32xf32, #tpu.memory_space<vmem>> -> memref<1000x32xf32, #tpu.memory_space<vmem>>
    %dma_wait3A_153 = arith.constant 0 : i32
    %dma_wait3A_154 = tpu.memref_slice %arg2[%add3A_141, %dma_wait3A_153] : memref<160000x32xf32, #tpu.memory_space<hbm>> -> memref<1000x32xf32, #tpu.memory_space<hbm>>
    tpu.wait_dma2 semaphore(%arg14 : memref<!tpu.dma_semaphore, #tpu.memory_space<semaphore_mem>>) src(%dma_wait3A_154 : memref<1000x32xf32, #tpu.memory_space<hbm>>) dst(%dma_wait3A_152 : memref<1000x32xf32, #tpu.memory_space<vmem>>)
    %run_scoped3A_155 = arith.constant 1 : i32
    "tpu.region"() ({
      %run_scoped3A_177 = tpu.sem_alloc : memref<!tpu.dma_semaphore, #tpu.memory_space<semaphore_mem>>
      %dma_start3A_178 = arith.constant 0 : i32
      %dma_start3A_179 = arith.constant 0 : i32
      %dma_start3A_180 = tpu.memref_slice %arg11[%run_scoped3A_155, %dma_start3A_178, %dma_start3A_179] : memref<2x1000x32xf32, #tpu.memory_space<vmem>> -> memref<1x1000x32xf32, #tpu.memory_space<vmem>>
      %dma_start3A_181 = tpu.memref_squeeze %dma_start3A_180 : memref<1x1000x32xf32, #tpu.memory_space<vmem>> -> memref<1000x32xf32, #tpu.memory_space<vmem>>
      %dma_start3A_182 = arith.constant 0 : i32
      %dma_start3A_183 = arith.constant 0 : i32
      %dma_start3A_184 = tpu.memref_slice %arg12[%dma_start3A_182, %dma_start3A_183] : memref<10000x32xf32, #tpu.memory_space<vmem_shared>> -> memref<10000x32xf32, #tpu.memory_space<vmem_shared>>
      tpu.enqueue_indirect_dma source(%dma_start3A_181 : memref<1000x32xf32, #tpu.memory_space<vmem>>) target(%dma_start3A_184 : memref<10000x32xf32, #tpu.memory_space<vmem_shared>>) offsets(%arg9 : memref<1000xi32, #tpu.memory_space<vmem>>) semaphore(%run_scoped3A_177 : memref<!tpu.dma_semaphore, #tpu.memory_space<semaphore_mem>>) {add = true}
      %dma_wait3A_185 = arith.constant 0 : i32
      %dma_wait3A_186 = arith.constant 0 : i32
      %dma_wait3A_187 = tpu.memref_slice %arg11[%run_scoped3A_155, %dma_wait3A_185, %dma_wait3A_186] : memref<2x1000x32xf32, #tpu.memory_space<vmem>> -> memref<1x1000x32xf32, #tpu.memory_space<vmem>>
      %dma_wait3A_188 = tpu.memref_squeeze %dma_wait3A_187 : memref<1x1000x32xf32, #tpu.memory_space<vmem>> -> memref<1000x32xf32, #tpu.memory_space<vmem>>
      %dma_wait3A_189 = arith.constant 0 : i32
      %dma_wait3A_190 = arith.constant 0 : i32
      %dma_wait3A_191 = tpu.memref_slice %arg12[%dma_wait3A_189, %dma_wait3A_190] : memref<10000x32xf32, #tpu.memory_space<vmem_shared>> -> memref<10000x32xf32, #tpu.memory_space<vmem_shared>>
      tpu.wait_indirect_dma semaphore(%run_scoped3A_177 : memref<!tpu.dma_semaphore, #tpu.memory_space<semaphore_mem>>) src(%dma_wait3A_188 : memref<1000x32xf32, #tpu.memory_space<vmem>>) dst(%dma_wait3A_191 : memref<10000x32xf32, #tpu.memory_space<vmem_shared>>)
      tpu.yield
    }) : () -> ()
    %add3A_156 = arith.constant 4000 : i32
    %add3A_157 = arith.addi %mul3A_2, %add3A_156 : i32
    %dma_wait3A_158 = arith.constant 0 : i32
    %dma_wait3A_159 = arith.constant 0 : i32
    %dma_wait3A_160 = arith.constant 0 : i32
    %dma_wait3A_161 = tpu.memref_slice %arg11[%dma_wait3A_158, %dma_wait3A_159, %dma_wait3A_160] : memref<2x1000x32xf32, #tpu.memory_space<vmem>> -> memref<1x1000x32xf32, #tpu.memory_space<vmem>>
    %dma_wait3A_162 = tpu.memref_squeeze %dma_wait3A_161 : memref<1x1000x32xf32, #tpu.memory_space<vmem>> -> memref<1000x32xf32, #tpu.memory_space<vmem>>
    %dma_wait3A_163 = arith.constant 0 : i32
    %dma_wait3A_164 = tpu.memref_slice %arg2[%add3A_157, %dma_wait3A_163] : memref<160000x32xf32, #tpu.memory_space<hbm>> -> memref<1000x32xf32, #tpu.memory_space<hbm>>
    %dma_wait3A_165 = arith.constant 0 : i32
    %dma_wait3A_166 = arith.constant 0 : i32
    %dma_wait3A_167 = tpu.memref_slice %arg11[%dma_wait3A_158, %dma_wait3A_165, %dma_wait3A_166] : memref<2x1000x32xf32, #tpu.memory_space<vmem>> -> memref<1x1000x32xf32, #tpu.memory_space<vmem>>
    %dma_wait3A_168 = tpu.memref_squeeze %dma_wait3A_167 : memref<1x1000x32xf32, #tpu.memory_space<vmem>> -> memref<1000x32xf32, #tpu.memory_space<vmem>>
    %dma_wait3A_169 = arith.constant 0 : i32
    %dma_wait3A_170 = tpu.memref_slice %arg2[%add3A_157, %dma_wait3A_169] : memref<160000x32xf32, #tpu.memory_space<hbm>> -> memref<1000x32xf32, #tpu.memory_space<hbm>>
    tpu.wait_dma2 semaphore(%arg13 : memref<!tpu.dma_semaphore, #tpu.memory_space<semaphore_mem>>) src(%dma_wait3A_170 : memref<1000x32xf32, #tpu.memory_space<hbm>>) dst(%dma_wait3A_168 : memref<1000x32xf32, #tpu.memory_space<vmem>>)
    %run_scoped3A_171 = arith.constant 0 : i32
    "tpu.region"() ({
      %run_scoped3A_177 = tpu.sem_alloc : memref<!tpu.dma_semaphore, #tpu.memory_space<semaphore_mem>>
      %dma_start3A_178 = arith.constant 0 : i32
      %dma_start3A_179 = arith.constant 0 : i32
      %dma_start3A_180 = tpu.memref_slice %arg11[%run_scoped3A_171, %dma_start3A_178, %dma_start3A_179] : memref<2x1000x32xf32, #tpu.memory_space<vmem>> -> memref<1x1000x32xf32, #tpu.memory_space<vmem>>
      %dma_start3A_181 = tpu.memref_squeeze %dma_start3A_180 : memref<1x1000x32xf32, #tpu.memory_space<vmem>> -> memref<1000x32xf32, #tpu.memory_space<vmem>>
      %dma_start3A_182 = arith.constant 0 : i32
      %dma_start3A_183 = arith.constant 0 : i32
      %dma_start3A_184 = tpu.memref_slice %arg12[%dma_start3A_182, %dma_start3A_183] : memref<10000x32xf32, #tpu.memory_space<vmem_shared>> -> memref<10000x32xf32, #tpu.memory_space<vmem_shared>>
      tpu.enqueue_indirect_dma source(%dma_start3A_181 : memref<1000x32xf32, #tpu.memory_space<vmem>>) target(%dma_start3A_184 : memref<10000x32xf32, #tpu.memory_space<vmem_shared>>) offsets(%arg10 : memref<1000xi32, #tpu.memory_space<vmem>>) semaphore(%run_scoped3A_177 : memref<!tpu.dma_semaphore, #tpu.memory_space<semaphore_mem>>) {add = true}
      %dma_wait3A_185 = arith.constant 0 : i32
      %dma_wait3A_186 = arith.constant 0 : i32
      %dma_wait3A_187 = tpu.memref_slice %arg11[%run_scoped3A_171, %dma_wait3A_185, %dma_wait3A_186] : memref<2x1000x32xf32, #tpu.memory_space<vmem>> -> memref<1x1000x32xf32, #tpu.memory_space<vmem>>
      %dma_wait3A_188 = tpu.memref_squeeze %dma_wait3A_187 : memref<1x1000x32xf32, #tpu.memory_space<vmem>> -> memref<1000x32xf32, #tpu.memory_space<vmem>>
      %dma_wait3A_189 = arith.constant 0 : i32
      %dma_wait3A_190 = arith.constant 0 : i32
      %dma_wait3A_191 = tpu.memref_slice %arg12[%dma_wait3A_189, %dma_wait3A_190] : memref<10000x32xf32, #tpu.memory_space<vmem_shared>> -> memref<10000x32xf32, #tpu.memory_space<vmem_shared>>
      tpu.wait_indirect_dma semaphore(%run_scoped3A_177 : memref<!tpu.dma_semaphore, #tpu.memory_space<semaphore_mem>>) src(%dma_wait3A_188 : memref<1000x32xf32, #tpu.memory_space<vmem>>) dst(%dma_wait3A_191 : memref<10000x32xf32, #tpu.memory_space<vmem_shared>>)
      tpu.yield
    }) : () -> ()
    %barrier3A_172 = arith.constant 0 : index
    tpu.barrier barrier_id(%barrier3A_172)
    %mul3A_173 = arith.constant 625 : i32
    %mul3A_174 = arith.muli %arg1, %mul3A_173 : i32
    %mul3A_175 = arith.constant 625 : i32
    %mul3A_176 = arith.muli %arg1, %mul3A_175 : i32
    "tpu.region"() ({
      %run_scoped3A_177 = tpu.sem_alloc : memref<!tpu.dma_semaphore, #tpu.memory_space<semaphore_mem>>
      %dma_start3A_178 = arith.constant 0 : i32
      %dma_start3A_179 = tpu.memref_slice %arg5[%arg0, %mul3A_176, %dma_start3A_178] : memref<2x10000x32xf32, #tpu.memory_space<hbm>> -> memref<1x625x32xf32, #tpu.memory_space<hbm>>
      %dma_start3A_180 = tpu.memref_squeeze %dma_start3A_179 : memref<1x625x32xf32, #tpu.memory_space<hbm>> -> memref<625x32xf32, #tpu.memory_space<hbm>>
      %dma_start3A_181 = arith.constant 0 : i32
      %dma_start3A_182 = tpu.memref_slice %arg12[%mul3A_174, %dma_start3A_181] : memref<10000x32xf32, #tpu.memory_space<vmem_shared>> -> memref<625x32xf32, #tpu.memory_space<vmem_shared>>
      tpu.enqueue_dma source(%dma_start3A_182 : memref<625x32xf32, #tpu.memory_space<vmem_shared>>) target(%dma_start3A_180 : memref<625x32xf32, #tpu.memory_space<hbm>>) target_semaphore(%run_scoped3A_177 : memref<!tpu.dma_semaphore, #tpu.memory_space<semaphore_mem>>)
      %dma_wait3A_183 = arith.constant 0 : i32
      %dma_wait3A_184 = tpu.memref_slice %arg5[%arg0, %mul3A_176, %dma_wait3A_183] : memref<2x10000x32xf32, #tpu.memory_space<hbm>> -> memref<1x625x32xf32, #tpu.memory_space<hbm>>
      %dma_wait3A_185 = tpu.memref_squeeze %dma_wait3A_184 : memref<1x625x32xf32, #tpu.memory_space<hbm>> -> memref<625x32xf32, #tpu.memory_space<hbm>>
      %dma_wait3A_186 = arith.constant 0 : i32
      %dma_wait3A_187 = tpu.memref_slice %arg12[%mul3A_174, %dma_wait3A_186] : memref<10000x32xf32, #tpu.memory_space<vmem_shared>> -> memref<625x32xf32, #tpu.memory_space<vmem_shared>>
      tpu.wait_dma2 semaphore(%run_scoped3A_177 : memref<!tpu.dma_semaphore, #tpu.memory_space<semaphore_mem>>) src(%dma_wait3A_187 : memref<625x32xf32, #tpu.memory_space<vmem_shared>>) dst(%dma_wait3A_185 : memref<625x32xf32, #tpu.memory_space<hbm>>)
      tpu.yield
    }) : () -> ()
    return
  }
}

#map = affine_map<(d0, d1) -> (0, 0)>
module attributes {stable_mosaic.version = 14 : i64} {
  func.func @k(%arg0: i32, %arg1: i32, %arg2: memref<10000x32xf32, #tpu.memory_space<hbm>>, %arg3: memref<2x160000xi32, #tpu.memory_space<hbm>>, %arg4: memref<160000x32xf32, #tpu.memory_space<hbm>>, %arg5: memref<1000xi32, #tpu.memory_space<vmem>>, %arg6: memref<1000xi32, #tpu.memory_space<vmem>>, %arg7: memref<1000xi32, #tpu.memory_space<vmem>>, %arg8: memref<1000xi32, #tpu.memory_space<vmem>>, %arg9: memref<1000xi32, #tpu.memory_space<vmem>>, %arg10: memref<2x1000x32xf32, #tpu.memory_space<vmem>>, %arg11: memref<!tpu.dma_semaphore, #tpu.memory_space<semaphore_mem>>, %arg12: memref<!tpu.dma_semaphore, #tpu.memory_space<semaphore_mem>>) attributes {dimension_semantics = [#tpu.dimension_semantics<core_parallel>, #tpu.dimension_semantics<subcore_parallel>], iteration_bounds = array<i64: 2, 16>, scalar_prefetch = 0 : i64, scratch_operands = 8 : i64, tpu.core_type = #tpu.core_type<sc_vector_subcore>, window_params = [{transform_indices = #map}, {transform_indices = #map}, {transform_indices = #map}]} {
    %mul3A = arith.constant 16 : i32
    %mul3A_0 = arith.muli %arg0, %mul3A : i32
    %add3A = arith.addi %mul3A_0, %arg1 : i32
    %mul3A_1 = arith.constant 5000 : i32
    %mul3A_2 = arith.muli %add3A, %mul3A_1 : i32
    %add3A_3 = arith.constant 0 : i32
    %add3A_4 = arith.addi %mul3A_2, %add3A_3 : i32
    %run_scoped3A = arith.constant 1 : i32
    "tpu.region"() ({
      %run_scoped3A_110 = tpu.sem_alloc : memref<!tpu.dma_semaphore, #tpu.memory_space<semaphore_mem>>
      %dma_start3A_111 = tpu.memref_slice %arg3[%run_scoped3A, %add3A_4] : memref<2x160000xi32, #tpu.memory_space<hbm>> -> memref<1x1000xi32, #tpu.memory_space<hbm>>
      %dma_start3A_112 = tpu.memref_squeeze %dma_start3A_111 : memref<1x1000xi32, #tpu.memory_space<hbm>> -> memref<1000xi32, #tpu.memory_space<hbm>>
      %dma_start3A_113 = tpu.memref_slice %arg3[%run_scoped3A, %add3A_4] : memref<2x160000xi32, #tpu.memory_space<hbm>> -> memref<1x1000xi32, #tpu.memory_space<hbm>>
      %dma_start3A_114 = tpu.memref_squeeze %dma_start3A_113 : memref<1x1000xi32, #tpu.memory_space<hbm>> -> memref<1000xi32, #tpu.memory_space<hbm>>
      tpu.enqueue_dma source(%dma_start3A_114 : memref<1000xi32, #tpu.memory_space<hbm>>) target(%arg5 : memref<1000xi32, #tpu.memory_space<vmem>>) target_semaphore(%run_scoped3A_110 : memref<!tpu.dma_semaphore, #tpu.memory_space<semaphore_mem>>)
      %dma_wait3A_115 = tpu.memref_slice %arg3[%run_scoped3A, %add3A_4] : memref<2x160000xi32, #tpu.memory_space<hbm>> -> memref<1x1000xi32, #tpu.memory_space<hbm>>
      %dma_wait3A_116 = tpu.memref_squeeze %dma_wait3A_115 : memref<1x1000xi32, #tpu.memory_space<hbm>> -> memref<1000xi32, #tpu.memory_space<hbm>>
      %dma_wait3A_117 = tpu.memref_slice %arg3[%run_scoped3A, %add3A_4] : memref<2x160000xi32, #tpu.memory_space<hbm>> -> memref<1x1000xi32, #tpu.memory_space<hbm>>
      %dma_wait3A_118 = tpu.memref_squeeze %dma_wait3A_117 : memref<1x1000xi32, #tpu.memory_space<hbm>> -> memref<1000xi32, #tpu.memory_space<hbm>>
      tpu.wait_dma2 semaphore(%run_scoped3A_110 : memref<!tpu.dma_semaphore, #tpu.memory_space<semaphore_mem>>) src(%dma_wait3A_118 : memref<1000xi32, #tpu.memory_space<hbm>>) dst(%arg5 : memref<1000xi32, #tpu.memory_space<vmem>>)
      tpu.yield
    }) : () -> ()
    %add3A_5 = arith.constant 1000 : i32
    %add3A_6 = arith.addi %mul3A_2, %add3A_5 : i32
    %run_scoped3A_7 = arith.constant 1 : i32
    "tpu.region"() ({
      %run_scoped3A_110 = tpu.sem_alloc : memref<!tpu.dma_semaphore, #tpu.memory_space<semaphore_mem>>
      %dma_start3A_111 = tpu.memref_slice %arg3[%run_scoped3A_7, %add3A_6] : memref<2x160000xi32, #tpu.memory_space<hbm>> -> memref<1x1000xi32, #tpu.memory_space<hbm>>
      %dma_start3A_112 = tpu.memref_squeeze %dma_start3A_111 : memref<1x1000xi32, #tpu.memory_space<hbm>> -> memref<1000xi32, #tpu.memory_space<hbm>>
      %dma_start3A_113 = tpu.memref_slice %arg3[%run_scoped3A_7, %add3A_6] : memref<2x160000xi32, #tpu.memory_space<hbm>> -> memref<1x1000xi32, #tpu.memory_space<hbm>>
      %dma_start3A_114 = tpu.memref_squeeze %dma_start3A_113 : memref<1x1000xi32, #tpu.memory_space<hbm>> -> memref<1000xi32, #tpu.memory_space<hbm>>
      tpu.enqueue_dma source(%dma_start3A_114 : memref<1000xi32, #tpu.memory_space<hbm>>) target(%arg6 : memref<1000xi32, #tpu.memory_space<vmem>>) target_semaphore(%run_scoped3A_110 : memref<!tpu.dma_semaphore, #tpu.memory_space<semaphore_mem>>)
      %dma_wait3A_115 = tpu.memref_slice %arg3[%run_scoped3A_7, %add3A_6] : memref<2x160000xi32, #tpu.memory_space<hbm>> -> memref<1x1000xi32, #tpu.memory_space<hbm>>
      %dma_wait3A_116 = tpu.memref_squeeze %dma_wait3A_115 : memref<1x1000xi32, #tpu.memory_space<hbm>> -> memref<1000xi32, #tpu.memory_space<hbm>>
      %dma_wait3A_117 = tpu.memref_slice %arg3[%run_scoped3A_7, %add3A_6] : memref<2x160000xi32, #tpu.memory_space<hbm>> -> memref<1x1000xi32, #tpu.memory_space<hbm>>
      %dma_wait3A_118 = tpu.memref_squeeze %dma_wait3A_117 : memref<1x1000xi32, #tpu.memory_space<hbm>> -> memref<1000xi32, #tpu.memory_space<hbm>>
      tpu.wait_dma2 semaphore(%run_scoped3A_110 : memref<!tpu.dma_semaphore, #tpu.memory_space<semaphore_mem>>) src(%dma_wait3A_118 : memref<1000xi32, #tpu.memory_space<hbm>>) dst(%arg6 : memref<1000xi32, #tpu.memory_space<vmem>>)
      tpu.yield
    }) : () -> ()
    %add3A_8 = arith.constant 2000 : i32
    %add3A_9 = arith.addi %mul3A_2, %add3A_8 : i32
    %run_scoped3A_10 = arith.constant 1 : i32
    "tpu.region"() ({
      %run_scoped3A_110 = tpu.sem_alloc : memref<!tpu.dma_semaphore, #tpu.memory_space<semaphore_mem>>
      %dma_start3A_111 = tpu.memref_slice %arg3[%run_scoped3A_10, %add3A_9] : memref<2x160000xi32, #tpu.memory_space<hbm>> -> memref<1x1000xi32, #tpu.memory_space<hbm>>
      %dma_start3A_112 = tpu.memref_squeeze %dma_start3A_111 : memref<1x1000xi32, #tpu.memory_space<hbm>> -> memref<1000xi32, #tpu.memory_space<hbm>>
      %dma_start3A_113 = tpu.memref_slice %arg3[%run_scoped3A_10, %add3A_9] : memref<2x160000xi32, #tpu.memory_space<hbm>> -> memref<1x1000xi32, #tpu.memory_space<hbm>>
      %dma_start3A_114 = tpu.memref_squeeze %dma_start3A_113 : memref<1x1000xi32, #tpu.memory_space<hbm>> -> memref<1000xi32, #tpu.memory_space<hbm>>
      tpu.enqueue_dma source(%dma_start3A_114 : memref<1000xi32, #tpu.memory_space<hbm>>) target(%arg7 : memref<1000xi32, #tpu.memory_space<vmem>>) target_semaphore(%run_scoped3A_110 : memref<!tpu.dma_semaphore, #tpu.memory_space<semaphore_mem>>)
      %dma_wait3A_115 = tpu.memref_slice %arg3[%run_scoped3A_10, %add3A_9] : memref<2x160000xi32, #tpu.memory_space<hbm>> -> memref<1x1000xi32, #tpu.memory_space<hbm>>
      %dma_wait3A_116 = tpu.memref_squeeze %dma_wait3A_115 : memref<1x1000xi32, #tpu.memory_space<hbm>> -> memref<1000xi32, #tpu.memory_space<hbm>>
      %dma_wait3A_117 = tpu.memref_slice %arg3[%run_scoped3A_10, %add3A_9] : memref<2x160000xi32, #tpu.memory_space<hbm>> -> memref<1x1000xi32, #tpu.memory_space<hbm>>
      %dma_wait3A_118 = tpu.memref_squeeze %dma_wait3A_117 : memref<1x1000xi32, #tpu.memory_space<hbm>> -> memref<1000xi32, #tpu.memory_space<hbm>>
      tpu.wait_dma2 semaphore(%run_scoped3A_110 : memref<!tpu.dma_semaphore, #tpu.memory_space<semaphore_mem>>) src(%dma_wait3A_118 : memref<1000xi32, #tpu.memory_space<hbm>>) dst(%arg7 : memref<1000xi32, #tpu.memory_space<vmem>>)
      tpu.yield
    }) : () -> ()
    %add3A_11 = arith.constant 3000 : i32
    %add3A_12 = arith.addi %mul3A_2, %add3A_11 : i32
    %run_scoped3A_13 = arith.constant 1 : i32
    "tpu.region"() ({
      %run_scoped3A_110 = tpu.sem_alloc : memref<!tpu.dma_semaphore, #tpu.memory_space<semaphore_mem>>
      %dma_start3A_111 = tpu.memref_slice %arg3[%run_scoped3A_13, %add3A_12] : memref<2x160000xi32, #tpu.memory_space<hbm>> -> memref<1x1000xi32, #tpu.memory_space<hbm>>
      %dma_start3A_112 = tpu.memref_squeeze %dma_start3A_111 : memref<1x1000xi32, #tpu.memory_space<hbm>> -> memref<1000xi32, #tpu.memory_space<hbm>>
      %dma_start3A_113 = tpu.memref_slice %arg3[%run_scoped3A_13, %add3A_12] : memref<2x160000xi32, #tpu.memory_space<hbm>> -> memref<1x1000xi32, #tpu.memory_space<hbm>>
      %dma_start3A_114 = tpu.memref_squeeze %dma_start3A_113 : memref<1x1000xi32, #tpu.memory_space<hbm>> -> memref<1000xi32, #tpu.memory_space<hbm>>
      tpu.enqueue_dma source(%dma_start3A_114 : memref<1000xi32, #tpu.memory_space<hbm>>) target(%arg8 : memref<1000xi32, #tpu.memory_space<vmem>>) target_semaphore(%run_scoped3A_110 : memref<!tpu.dma_semaphore, #tpu.memory_space<semaphore_mem>>)
      %dma_wait3A_115 = tpu.memref_slice %arg3[%run_scoped3A_13, %add3A_12] : memref<2x160000xi32, #tpu.memory_space<hbm>> -> memref<1x1000xi32, #tpu.memory_space<hbm>>
      %dma_wait3A_116 = tpu.memref_squeeze %dma_wait3A_115 : memref<1x1000xi32, #tpu.memory_space<hbm>> -> memref<1000xi32, #tpu.memory_space<hbm>>
      %dma_wait3A_117 = tpu.memref_slice %arg3[%run_scoped3A_13, %add3A_12] : memref<2x160000xi32, #tpu.memory_space<hbm>> -> memref<1x1000xi32, #tpu.memory_space<hbm>>
      %dma_wait3A_118 = tpu.memref_squeeze %dma_wait3A_117 : memref<1x1000xi32, #tpu.memory_space<hbm>> -> memref<1000xi32, #tpu.memory_space<hbm>>
      tpu.wait_dma2 semaphore(%run_scoped3A_110 : memref<!tpu.dma_semaphore, #tpu.memory_space<semaphore_mem>>) src(%dma_wait3A_118 : memref<1000xi32, #tpu.memory_space<hbm>>) dst(%arg8 : memref<1000xi32, #tpu.memory_space<vmem>>)
      tpu.yield
    }) : () -> ()
    %add3A_14 = arith.constant 4000 : i32
    %add3A_15 = arith.addi %mul3A_2, %add3A_14 : i32
    %run_scoped3A_16 = arith.constant 1 : i32
    "tpu.region"() ({
      %run_scoped3A_110 = tpu.sem_alloc : memref<!tpu.dma_semaphore, #tpu.memory_space<semaphore_mem>>
      %dma_start3A_111 = tpu.memref_slice %arg3[%run_scoped3A_16, %add3A_15] : memref<2x160000xi32, #tpu.memory_space<hbm>> -> memref<1x1000xi32, #tpu.memory_space<hbm>>
      %dma_start3A_112 = tpu.memref_squeeze %dma_start3A_111 : memref<1x1000xi32, #tpu.memory_space<hbm>> -> memref<1000xi32, #tpu.memory_space<hbm>>
      %dma_start3A_113 = tpu.memref_slice %arg3[%run_scoped3A_16, %add3A_15] : memref<2x160000xi32, #tpu.memory_space<hbm>> -> memref<1x1000xi32, #tpu.memory_space<hbm>>
      %dma_start3A_114 = tpu.memref_squeeze %dma_start3A_113 : memref<1x1000xi32, #tpu.memory_space<hbm>> -> memref<1000xi32, #tpu.memory_space<hbm>>
      tpu.enqueue_dma source(%dma_start3A_114 : memref<1000xi32, #tpu.memory_space<hbm>>) target(%arg9 : memref<1000xi32, #tpu.memory_space<vmem>>) target_semaphore(%run_scoped3A_110 : memref<!tpu.dma_semaphore, #tpu.memory_space<semaphore_mem>>)
      %dma_wait3A_115 = tpu.memref_slice %arg3[%run_scoped3A_16, %add3A_15] : memref<2x160000xi32, #tpu.memory_space<hbm>> -> memref<1x1000xi32, #tpu.memory_space<hbm>>
      %dma_wait3A_116 = tpu.memref_squeeze %dma_wait3A_115 : memref<1x1000xi32, #tpu.memory_space<hbm>> -> memref<1000xi32, #tpu.memory_space<hbm>>
      %dma_wait3A_117 = tpu.memref_slice %arg3[%run_scoped3A_16, %add3A_15] : memref<2x160000xi32, #tpu.memory_space<hbm>> -> memref<1x1000xi32, #tpu.memory_space<hbm>>
      %dma_wait3A_118 = tpu.memref_squeeze %dma_wait3A_117 : memref<1x1000xi32, #tpu.memory_space<hbm>> -> memref<1000xi32, #tpu.memory_space<hbm>>
      tpu.wait_dma2 semaphore(%run_scoped3A_110 : memref<!tpu.dma_semaphore, #tpu.memory_space<semaphore_mem>>) src(%dma_wait3A_118 : memref<1000xi32, #tpu.memory_space<hbm>>) dst(%arg9 : memref<1000xi32, #tpu.memory_space<vmem>>)
      tpu.yield
    }) : () -> ()
    %dma_start3A = arith.constant 0 : i32
    %dma_start3A_17 = arith.constant 0 : i32
    %dma_start3A_18 = arith.constant 0 : i32
    %dma_start3A_19 = tpu.memref_slice %arg10[%dma_start3A, %dma_start3A_17, %dma_start3A_18] : memref<2x1000x32xf32, #tpu.memory_space<vmem>> -> memref<1x1000x32xf32, #tpu.memory_space<vmem>>
    %dma_start3A_20 = tpu.memref_squeeze %dma_start3A_19 : memref<1x1000x32xf32, #tpu.memory_space<vmem>> -> memref<1000x32xf32, #tpu.memory_space<vmem>>
    %dma_start3A_21 = arith.constant 0 : i32
    %dma_start3A_22 = arith.constant 0 : i32
    %dma_start3A_23 = tpu.memref_slice %arg2[%dma_start3A_21, %dma_start3A_22] : memref<10000x32xf32, #tpu.memory_space<hbm>> -> memref<10000x32xf32, #tpu.memory_space<hbm>>
    tpu.enqueue_indirect_dma source(%dma_start3A_23 : memref<10000x32xf32, #tpu.memory_space<hbm>>) target(%dma_start3A_20 : memref<1000x32xf32, #tpu.memory_space<vmem>>) offsets(%arg5 : memref<1000xi32, #tpu.memory_space<vmem>>) semaphore(%arg11 : memref<!tpu.dma_semaphore, #tpu.memory_space<semaphore_mem>>)
    %dma_start3A_24 = arith.constant 1 : i32
    %dma_start3A_25 = arith.constant 0 : i32
    %dma_start3A_26 = arith.constant 0 : i32
    %dma_start3A_27 = tpu.memref_slice %arg10[%dma_start3A_24, %dma_start3A_25, %dma_start3A_26] : memref<2x1000x32xf32, #tpu.memory_space<vmem>> -> memref<1x1000x32xf32, #tpu.memory_space<vmem>>
    %dma_start3A_28 = tpu.memref_squeeze %dma_start3A_27 : memref<1x1000x32xf32, #tpu.memory_space<vmem>> -> memref<1000x32xf32, #tpu.memory_space<vmem>>
    %dma_start3A_29 = arith.constant 0 : i32
    %dma_start3A_30 = arith.constant 0 : i32
    %dma_start3A_31 = tpu.memref_slice %arg2[%dma_start3A_29, %dma_start3A_30] : memref<10000x32xf32, #tpu.memory_space<hbm>> -> memref<10000x32xf32, #tpu.memory_space<hbm>>
    tpu.enqueue_indirect_dma source(%dma_start3A_31 : memref<10000x32xf32, #tpu.memory_space<hbm>>) target(%dma_start3A_28 : memref<1000x32xf32, #tpu.memory_space<vmem>>) offsets(%arg6 : memref<1000xi32, #tpu.memory_space<vmem>>) semaphore(%arg12 : memref<!tpu.dma_semaphore, #tpu.memory_space<semaphore_mem>>)
    %dma_wait3A = arith.constant 0 : i32
    %dma_wait3A_32 = arith.constant 0 : i32
    %dma_wait3A_33 = arith.constant 0 : i32
    %dma_wait3A_34 = tpu.memref_slice %arg10[%dma_wait3A, %dma_wait3A_32, %dma_wait3A_33] : memref<2x1000x32xf32, #tpu.memory_space<vmem>> -> memref<1x1000x32xf32, #tpu.memory_space<vmem>>
    %dma_wait3A_35 = tpu.memref_squeeze %dma_wait3A_34 : memref<1x1000x32xf32, #tpu.memory_space<vmem>> -> memref<1000x32xf32, #tpu.memory_space<vmem>>
    %dma_wait3A_36 = arith.constant 0 : i32
    %dma_wait3A_37 = arith.constant 0 : i32
    %dma_wait3A_38 = tpu.memref_slice %arg2[%dma_wait3A_36, %dma_wait3A_37] : memref<10000x32xf32, #tpu.memory_space<hbm>> -> memref<10000x32xf32, #tpu.memory_space<hbm>>
    tpu.wait_indirect_dma semaphore(%arg11 : memref<!tpu.dma_semaphore, #tpu.memory_space<semaphore_mem>>) src(%dma_wait3A_38 : memref<10000x32xf32, #tpu.memory_space<hbm>>) dst(%dma_wait3A_35 : memref<1000x32xf32, #tpu.memory_space<vmem>>)
    %add3A_39 = arith.constant 0 : i32
    %add3A_40 = arith.addi %mul3A_2, %add3A_39 : i32
    %run_scoped3A_41 = arith.constant 0 : i32
    "tpu.region"() ({
      %run_scoped3A_110 = tpu.sem_alloc : memref<!tpu.dma_semaphore, #tpu.memory_space<semaphore_mem>>
      %dma_start3A_111 = arith.constant 0 : i32
      %dma_start3A_112 = arith.constant 0 : i32
      %dma_start3A_113 = tpu.memref_slice %arg10[%run_scoped3A_41, %dma_start3A_111, %dma_start3A_112] : memref<2x1000x32xf32, #tpu.memory_space<vmem>> -> memref<1x1000x32xf32, #tpu.memory_space<vmem>>
      %dma_start3A_114 = tpu.memref_squeeze %dma_start3A_113 : memref<1x1000x32xf32, #tpu.memory_space<vmem>> -> memref<1000x32xf32, #tpu.memory_space<vmem>>
      %dma_start3A_115 = arith.constant 0 : i32
      %dma_start3A_116 = tpu.memref_slice %arg4[%add3A_40, %dma_start3A_115] : memref<160000x32xf32, #tpu.memory_space<hbm>> -> memref<1000x32xf32, #tpu.memory_space<hbm>>
      %dma_start3A_117 = arith.constant 0 : i32
      %dma_start3A_118 = tpu.memref_slice %arg4[%add3A_40, %dma_start3A_117] : memref<160000x32xf32, #tpu.memory_space<hbm>> -> memref<1000x32xf32, #tpu.memory_space<hbm>>
      %dma_start3A_119 = arith.constant 0 : i32
      %dma_start3A_120 = arith.constant 0 : i32
      %dma_start3A_121 = tpu.memref_slice %arg10[%run_scoped3A_41, %dma_start3A_119, %dma_start3A_120] : memref<2x1000x32xf32, #tpu.memory_space<vmem>> -> memref<1x1000x32xf32, #tpu.memory_space<vmem>>
      %dma_start3A_122 = tpu.memref_squeeze %dma_start3A_121 : memref<1x1000x32xf32, #tpu.memory_space<vmem>> -> memref<1000x32xf32, #tpu.memory_space<vmem>>
      tpu.enqueue_dma source(%dma_start3A_122 : memref<1000x32xf32, #tpu.memory_space<vmem>>) target(%dma_start3A_118 : memref<1000x32xf32, #tpu.memory_space<hbm>>) target_semaphore(%run_scoped3A_110 : memref<!tpu.dma_semaphore, #tpu.memory_space<semaphore_mem>>)
      %dma_wait3A_123 = arith.constant 0 : i32
      %dma_wait3A_124 = arith.constant 0 : i32
      %dma_wait3A_125 = tpu.memref_slice %arg10[%run_scoped3A_41, %dma_wait3A_123, %dma_wait3A_124] : memref<2x1000x32xf32, #tpu.memory_space<vmem>> -> memref<1x1000x32xf32, #tpu.memory_space<vmem>>
      %dma_wait3A_126 = tpu.memref_squeeze %dma_wait3A_125 : memref<1x1000x32xf32, #tpu.memory_space<vmem>> -> memref<1000x32xf32, #tpu.memory_space<vmem>>
      %dma_wait3A_127 = arith.constant 0 : i32
      %dma_wait3A_128 = tpu.memref_slice %arg4[%add3A_40, %dma_wait3A_127] : memref<160000x32xf32, #tpu.memory_space<hbm>> -> memref<1000x32xf32, #tpu.memory_space<hbm>>
      %dma_wait3A_129 = arith.constant 0 : i32
      %dma_wait3A_130 = tpu.memref_slice %arg4[%add3A_40, %dma_wait3A_129] : memref<160000x32xf32, #tpu.memory_space<hbm>> -> memref<1000x32xf32, #tpu.memory_space<hbm>>
      %dma_wait3A_131 = arith.constant 0 : i32
      %dma_wait3A_132 = arith.constant 0 : i32
      %dma_wait3A_133 = tpu.memref_slice %arg10[%run_scoped3A_41, %dma_wait3A_131, %dma_wait3A_132] : memref<2x1000x32xf32, #tpu.memory_space<vmem>> -> memref<1x1000x32xf32, #tpu.memory_space<vmem>>
      %dma_wait3A_134 = tpu.memref_squeeze %dma_wait3A_133 : memref<1x1000x32xf32, #tpu.memory_space<vmem>> -> memref<1000x32xf32, #tpu.memory_space<vmem>>
      tpu.wait_dma2 semaphore(%run_scoped3A_110 : memref<!tpu.dma_semaphore, #tpu.memory_space<semaphore_mem>>) src(%dma_wait3A_134 : memref<1000x32xf32, #tpu.memory_space<vmem>>) dst(%dma_wait3A_130 : memref<1000x32xf32, #tpu.memory_space<hbm>>)
      tpu.yield
    }) : () -> ()
    %dma_start3A_42 = arith.constant 0 : i32
    %dma_start3A_43 = arith.constant 0 : i32
    %dma_start3A_44 = arith.constant 0 : i32
    %dma_start3A_45 = tpu.memref_slice %arg10[%dma_start3A_42, %dma_start3A_43, %dma_start3A_44] : memref<2x1000x32xf32, #tpu.memory_space<vmem>> -> memref<1x1000x32xf32, #tpu.memory_space<vmem>>
    %dma_start3A_46 = tpu.memref_squeeze %dma_start3A_45 : memref<1x1000x32xf32, #tpu.memory_space<vmem>> -> memref<1000x32xf32, #tpu.memory_space<vmem>>
    %dma_start3A_47 = arith.constant 0 : i32
    %dma_start3A_48 = arith.constant 0 : i32
    %dma_start3A_49 = tpu.memref_slice %arg2[%dma_start3A_47, %dma_start3A_48] : memref<10000x32xf32, #tpu.memory_space<hbm>> -> memref<10000x32xf32, #tpu.memory_space<hbm>>
    tpu.enqueue_indirect_dma source(%dma_start3A_49 : memref<10000x32xf32, #tpu.memory_space<hbm>>) target(%dma_start3A_46 : memref<1000x32xf32, #tpu.memory_space<vmem>>) offsets(%arg7 : memref<1000xi32, #tpu.memory_space<vmem>>) semaphore(%arg11 : memref<!tpu.dma_semaphore, #tpu.memory_space<semaphore_mem>>)
    %dma_wait3A_50 = arith.constant 1 : i32
    %dma_wait3A_51 = arith.constant 0 : i32
    %dma_wait3A_52 = arith.constant 0 : i32
    %dma_wait3A_53 = tpu.memref_slice %arg10[%dma_wait3A_50, %dma_wait3A_51, %dma_wait3A_52] : memref<2x1000x32xf32, #tpu.memory_space<vmem>> -> memref<1x1000x32xf32, #tpu.memory_space<vmem>>
    %dma_wait3A_54 = tpu.memref_squeeze %dma_wait3A_53 : memref<1x1000x32xf32, #tpu.memory_space<vmem>> -> memref<1000x32xf32, #tpu.memory_space<vmem>>
    %dma_wait3A_55 = arith.constant 0 : i32
    %dma_wait3A_56 = arith.constant 0 : i32
    %dma_wait3A_57 = tpu.memref_slice %arg2[%dma_wait3A_55, %dma_wait3A_56] : memref<10000x32xf32, #tpu.memory_space<hbm>> -> memref<10000x32xf32, #tpu.memory_space<hbm>>
    tpu.wait_indirect_dma semaphore(%arg12 : memref<!tpu.dma_semaphore, #tpu.memory_space<semaphore_mem>>) src(%dma_wait3A_57 : memref<10000x32xf32, #tpu.memory_space<hbm>>) dst(%dma_wait3A_54 : memref<1000x32xf32, #tpu.memory_space<vmem>>)
    %add3A_58 = arith.constant 1000 : i32
    %add3A_59 = arith.addi %mul3A_2, %add3A_58 : i32
    %run_scoped3A_60 = arith.constant 1 : i32
    "tpu.region"() ({
      %run_scoped3A_110 = tpu.sem_alloc : memref<!tpu.dma_semaphore, #tpu.memory_space<semaphore_mem>>
      %dma_start3A_111 = arith.constant 0 : i32
      %dma_start3A_112 = arith.constant 0 : i32
      %dma_start3A_113 = tpu.memref_slice %arg10[%run_scoped3A_60, %dma_start3A_111, %dma_start3A_112] : memref<2x1000x32xf32, #tpu.memory_space<vmem>> -> memref<1x1000x32xf32, #tpu.memory_space<vmem>>
      %dma_start3A_114 = tpu.memref_squeeze %dma_start3A_113 : memref<1x1000x32xf32, #tpu.memory_space<vmem>> -> memref<1000x32xf32, #tpu.memory_space<vmem>>
      %dma_start3A_115 = arith.constant 0 : i32
      %dma_start3A_116 = tpu.memref_slice %arg4[%add3A_59, %dma_start3A_115] : memref<160000x32xf32, #tpu.memory_space<hbm>> -> memref<1000x32xf32, #tpu.memory_space<hbm>>
      %dma_start3A_117 = arith.constant 0 : i32
      %dma_start3A_118 = tpu.memref_slice %arg4[%add3A_59, %dma_start3A_117] : memref<160000x32xf32, #tpu.memory_space<hbm>> -> memref<1000x32xf32, #tpu.memory_space<hbm>>
      %dma_start3A_119 = arith.constant 0 : i32
      %dma_start3A_120 = arith.constant 0 : i32
      %dma_start3A_121 = tpu.memref_slice %arg10[%run_scoped3A_60, %dma_start3A_119, %dma_start3A_120] : memref<2x1000x32xf32, #tpu.memory_space<vmem>> -> memref<1x1000x32xf32, #tpu.memory_space<vmem>>
      %dma_start3A_122 = tpu.memref_squeeze %dma_start3A_121 : memref<1x1000x32xf32, #tpu.memory_space<vmem>> -> memref<1000x32xf32, #tpu.memory_space<vmem>>
      tpu.enqueue_dma source(%dma_start3A_122 : memref<1000x32xf32, #tpu.memory_space<vmem>>) target(%dma_start3A_118 : memref<1000x32xf32, #tpu.memory_space<hbm>>) target_semaphore(%run_scoped3A_110 : memref<!tpu.dma_semaphore, #tpu.memory_space<semaphore_mem>>)
      %dma_wait3A_123 = arith.constant 0 : i32
      %dma_wait3A_124 = arith.constant 0 : i32
      %dma_wait3A_125 = tpu.memref_slice %arg10[%run_scoped3A_60, %dma_wait3A_123, %dma_wait3A_124] : memref<2x1000x32xf32, #tpu.memory_space<vmem>> -> memref<1x1000x32xf32, #tpu.memory_space<vmem>>
      %dma_wait3A_126 = tpu.memref_squeeze %dma_wait3A_125 : memref<1x1000x32xf32, #tpu.memory_space<vmem>> -> memref<1000x32xf32, #tpu.memory_space<vmem>>
      %dma_wait3A_127 = arith.constant 0 : i32
      %dma_wait3A_128 = tpu.memref_slice %arg4[%add3A_59, %dma_wait3A_127] : memref<160000x32xf32, #tpu.memory_space<hbm>> -> memref<1000x32xf32, #tpu.memory_space<hbm>>
      %dma_wait3A_129 = arith.constant 0 : i32
      %dma_wait3A_130 = tpu.memref_slice %arg4[%add3A_59, %dma_wait3A_129] : memref<160000x32xf32, #tpu.memory_space<hbm>> -> memref<1000x32xf32, #tpu.memory_space<hbm>>
      %dma_wait3A_131 = arith.constant 0 : i32
      %dma_wait3A_132 = arith.constant 0 : i32
      %dma_wait3A_133 = tpu.memref_slice %arg10[%run_scoped3A_60, %dma_wait3A_131, %dma_wait3A_132] : memref<2x1000x32xf32, #tpu.memory_space<vmem>> -> memref<1x1000x32xf32, #tpu.memory_space<vmem>>
      %dma_wait3A_134 = tpu.memref_squeeze %dma_wait3A_133 : memref<1x1000x32xf32, #tpu.memory_space<vmem>> -> memref<1000x32xf32, #tpu.memory_space<vmem>>
      tpu.wait_dma2 semaphore(%run_scoped3A_110 : memref<!tpu.dma_semaphore, #tpu.memory_space<semaphore_mem>>) src(%dma_wait3A_134 : memref<1000x32xf32, #tpu.memory_space<vmem>>) dst(%dma_wait3A_130 : memref<1000x32xf32, #tpu.memory_space<hbm>>)
      tpu.yield
    }) : () -> ()
    %dma_start3A_61 = arith.constant 1 : i32
    %dma_start3A_62 = arith.constant 0 : i32
    %dma_start3A_63 = arith.constant 0 : i32
    %dma_start3A_64 = tpu.memref_slice %arg10[%dma_start3A_61, %dma_start3A_62, %dma_start3A_63] : memref<2x1000x32xf32, #tpu.memory_space<vmem>> -> memref<1x1000x32xf32, #tpu.memory_space<vmem>>
    %dma_start3A_65 = tpu.memref_squeeze %dma_start3A_64 : memref<1x1000x32xf32, #tpu.memory_space<vmem>> -> memref<1000x32xf32, #tpu.memory_space<vmem>>
    %dma_start3A_66 = arith.constant 0 : i32
    %dma_start3A_67 = arith.constant 0 : i32
    %dma_start3A_68 = tpu.memref_slice %arg2[%dma_start3A_66, %dma_start3A_67] : memref<10000x32xf32, #tpu.memory_space<hbm>> -> memref<10000x32xf32, #tpu.memory_space<hbm>>
    tpu.enqueue_indirect_dma source(%dma_start3A_68 : memref<10000x32xf32, #tpu.memory_space<hbm>>) target(%dma_start3A_65 : memref<1000x32xf32, #tpu.memory_space<vmem>>) offsets(%arg8 : memref<1000xi32, #tpu.memory_space<vmem>>) semaphore(%arg12 : memref<!tpu.dma_semaphore, #tpu.memory_space<semaphore_mem>>)
    %dma_wait3A_69 = arith.constant 0 : i32
    %dma_wait3A_70 = arith.constant 0 : i32
    %dma_wait3A_71 = arith.constant 0 : i32
    %dma_wait3A_72 = tpu.memref_slice %arg10[%dma_wait3A_69, %dma_wait3A_70, %dma_wait3A_71] : memref<2x1000x32xf32, #tpu.memory_space<vmem>> -> memref<1x1000x32xf32, #tpu.memory_space<vmem>>
    %dma_wait3A_73 = tpu.memref_squeeze %dma_wait3A_72 : memref<1x1000x32xf32, #tpu.memory_space<vmem>> -> memref<1000x32xf32, #tpu.memory_space<vmem>>
    %dma_wait3A_74 = arith.constant 0 : i32
    %dma_wait3A_75 = arith.constant 0 : i32
    %dma_wait3A_76 = tpu.memref_slice %arg2[%dma_wait3A_74, %dma_wait3A_75] : memref<10000x32xf32, #tpu.memory_space<hbm>> -> memref<10000x32xf32, #tpu.memory_space<hbm>>
    tpu.wait_indirect_dma semaphore(%arg11 : memref<!tpu.dma_semaphore, #tpu.memory_space<semaphore_mem>>) src(%dma_wait3A_76 : memref<10000x32xf32, #tpu.memory_space<hbm>>) dst(%dma_wait3A_73 : memref<1000x32xf32, #tpu.memory_space<vmem>>)
    %add3A_77 = arith.constant 2000 : i32
    %add3A_78 = arith.addi %mul3A_2, %add3A_77 : i32
    %run_scoped3A_79 = arith.constant 0 : i32
    "tpu.region"() ({
      %run_scoped3A_110 = tpu.sem_alloc : memref<!tpu.dma_semaphore, #tpu.memory_space<semaphore_mem>>
      %dma_start3A_111 = arith.constant 0 : i32
      %dma_start3A_112 = arith.constant 0 : i32
      %dma_start3A_113 = tpu.memref_slice %arg10[%run_scoped3A_79, %dma_start3A_111, %dma_start3A_112] : memref<2x1000x32xf32, #tpu.memory_space<vmem>> -> memref<1x1000x32xf32, #tpu.memory_space<vmem>>
      %dma_start3A_114 = tpu.memref_squeeze %dma_start3A_113 : memref<1x1000x32xf32, #tpu.memory_space<vmem>> -> memref<1000x32xf32, #tpu.memory_space<vmem>>
      %dma_start3A_115 = arith.constant 0 : i32
      %dma_start3A_116 = tpu.memref_slice %arg4[%add3A_78, %dma_start3A_115] : memref<160000x32xf32, #tpu.memory_space<hbm>> -> memref<1000x32xf32, #tpu.memory_space<hbm>>
      %dma_start3A_117 = arith.constant 0 : i32
      %dma_start3A_118 = tpu.memref_slice %arg4[%add3A_78, %dma_start3A_117] : memref<160000x32xf32, #tpu.memory_space<hbm>> -> memref<1000x32xf32, #tpu.memory_space<hbm>>
      %dma_start3A_119 = arith.constant 0 : i32
      %dma_start3A_120 = arith.constant 0 : i32
      %dma_start3A_121 = tpu.memref_slice %arg10[%run_scoped3A_79, %dma_start3A_119, %dma_start3A_120] : memref<2x1000x32xf32, #tpu.memory_space<vmem>> -> memref<1x1000x32xf32, #tpu.memory_space<vmem>>
      %dma_start3A_122 = tpu.memref_squeeze %dma_start3A_121 : memref<1x1000x32xf32, #tpu.memory_space<vmem>> -> memref<1000x32xf32, #tpu.memory_space<vmem>>
      tpu.enqueue_dma source(%dma_start3A_122 : memref<1000x32xf32, #tpu.memory_space<vmem>>) target(%dma_start3A_118 : memref<1000x32xf32, #tpu.memory_space<hbm>>) target_semaphore(%run_scoped3A_110 : memref<!tpu.dma_semaphore, #tpu.memory_space<semaphore_mem>>)
      %dma_wait3A_123 = arith.constant 0 : i32
      %dma_wait3A_124 = arith.constant 0 : i32
      %dma_wait3A_125 = tpu.memref_slice %arg10[%run_scoped3A_79, %dma_wait3A_123, %dma_wait3A_124] : memref<2x1000x32xf32, #tpu.memory_space<vmem>> -> memref<1x1000x32xf32, #tpu.memory_space<vmem>>
      %dma_wait3A_126 = tpu.memref_squeeze %dma_wait3A_125 : memref<1x1000x32xf32, #tpu.memory_space<vmem>> -> memref<1000x32xf32, #tpu.memory_space<vmem>>
      %dma_wait3A_127 = arith.constant 0 : i32
      %dma_wait3A_128 = tpu.memref_slice %arg4[%add3A_78, %dma_wait3A_127] : memref<160000x32xf32, #tpu.memory_space<hbm>> -> memref<1000x32xf32, #tpu.memory_space<hbm>>
      %dma_wait3A_129 = arith.constant 0 : i32
      %dma_wait3A_130 = tpu.memref_slice %arg4[%add3A_78, %dma_wait3A_129] : memref<160000x32xf32, #tpu.memory_space<hbm>> -> memref<1000x32xf32, #tpu.memory_space<hbm>>
      %dma_wait3A_131 = arith.constant 0 : i32
      %dma_wait3A_132 = arith.constant 0 : i32
      %dma_wait3A_133 = tpu.memref_slice %arg10[%run_scoped3A_79, %dma_wait3A_131, %dma_wait3A_132] : memref<2x1000x32xf32, #tpu.memory_space<vmem>> -> memref<1x1000x32xf32, #tpu.memory_space<vmem>>
      %dma_wait3A_134 = tpu.memref_squeeze %dma_wait3A_133 : memref<1x1000x32xf32, #tpu.memory_space<vmem>> -> memref<1000x32xf32, #tpu.memory_space<vmem>>
      tpu.wait_dma2 semaphore(%run_scoped3A_110 : memref<!tpu.dma_semaphore, #tpu.memory_space<semaphore_mem>>) src(%dma_wait3A_134 : memref<1000x32xf32, #tpu.memory_space<vmem>>) dst(%dma_wait3A_130 : memref<1000x32xf32, #tpu.memory_space<hbm>>)
      tpu.yield
    }) : () -> ()
    %dma_start3A_80 = arith.constant 0 : i32
    %dma_start3A_81 = arith.constant 0 : i32
    %dma_start3A_82 = arith.constant 0 : i32
    %dma_start3A_83 = tpu.memref_slice %arg10[%dma_start3A_80, %dma_start3A_81, %dma_start3A_82] : memref<2x1000x32xf32, #tpu.memory_space<vmem>> -> memref<1x1000x32xf32, #tpu.memory_space<vmem>>
    %dma_start3A_84 = tpu.memref_squeeze %dma_start3A_83 : memref<1x1000x32xf32, #tpu.memory_space<vmem>> -> memref<1000x32xf32, #tpu.memory_space<vmem>>
    %dma_start3A_85 = arith.constant 0 : i32
    %dma_start3A_86 = arith.constant 0 : i32
    %dma_start3A_87 = tpu.memref_slice %arg2[%dma_start3A_85, %dma_start3A_86] : memref<10000x32xf32, #tpu.memory_space<hbm>> -> memref<10000x32xf32, #tpu.memory_space<hbm>>
    tpu.enqueue_indirect_dma source(%dma_start3A_87 : memref<10000x32xf32, #tpu.memory_space<hbm>>) target(%dma_start3A_84 : memref<1000x32xf32, #tpu.memory_space<vmem>>) offsets(%arg9 : memref<1000xi32, #tpu.memory_space<vmem>>) semaphore(%arg11 : memref<!tpu.dma_semaphore, #tpu.memory_space<semaphore_mem>>)
    %dma_wait3A_88 = arith.constant 1 : i32
    %dma_wait3A_89 = arith.constant 0 : i32
    %dma_wait3A_90 = arith.constant 0 : i32
    %dma_wait3A_91 = tpu.memref_slice %arg10[%dma_wait3A_88, %dma_wait3A_89, %dma_wait3A_90] : memref<2x1000x32xf32, #tpu.memory_space<vmem>> -> memref<1x1000x32xf32, #tpu.memory_space<vmem>>
    %dma_wait3A_92 = tpu.memref_squeeze %dma_wait3A_91 : memref<1x1000x32xf32, #tpu.memory_space<vmem>> -> memref<1000x32xf32, #tpu.memory_space<vmem>>
    %dma_wait3A_93 = arith.constant 0 : i32
    %dma_wait3A_94 = arith.constant 0 : i32
    %dma_wait3A_95 = tpu.memref_slice %arg2[%dma_wait3A_93, %dma_wait3A_94] : memref<10000x32xf32, #tpu.memory_space<hbm>> -> memref<10000x32xf32, #tpu.memory_space<hbm>>
    tpu.wait_indirect_dma semaphore(%arg12 : memref<!tpu.dma_semaphore, #tpu.memory_space<semaphore_mem>>) src(%dma_wait3A_95 : memref<10000x32xf32, #tpu.memory_space<hbm>>) dst(%dma_wait3A_92 : memref<1000x32xf32, #tpu.memory_space<vmem>>)
    %add3A_96 = arith.constant 3000 : i32
    %add3A_97 = arith.addi %mul3A_2, %add3A_96 : i32
    %run_scoped3A_98 = arith.constant 1 : i32
    "tpu.region"() ({
      %run_scoped3A_110 = tpu.sem_alloc : memref<!tpu.dma_semaphore, #tpu.memory_space<semaphore_mem>>
      %dma_start3A_111 = arith.constant 0 : i32
      %dma_start3A_112 = arith.constant 0 : i32
      %dma_start3A_113 = tpu.memref_slice %arg10[%run_scoped3A_98, %dma_start3A_111, %dma_start3A_112] : memref<2x1000x32xf32, #tpu.memory_space<vmem>> -> memref<1x1000x32xf32, #tpu.memory_space<vmem>>
      %dma_start3A_114 = tpu.memref_squeeze %dma_start3A_113 : memref<1x1000x32xf32, #tpu.memory_space<vmem>> -> memref<1000x32xf32, #tpu.memory_space<vmem>>
      %dma_start3A_115 = arith.constant 0 : i32
      %dma_start3A_116 = tpu.memref_slice %arg4[%add3A_97, %dma_start3A_115] : memref<160000x32xf32, #tpu.memory_space<hbm>> -> memref<1000x32xf32, #tpu.memory_space<hbm>>
      %dma_start3A_117 = arith.constant 0 : i32
      %dma_start3A_118 = tpu.memref_slice %arg4[%add3A_97, %dma_start3A_117] : memref<160000x32xf32, #tpu.memory_space<hbm>> -> memref<1000x32xf32, #tpu.memory_space<hbm>>
      %dma_start3A_119 = arith.constant 0 : i32
      %dma_start3A_120 = arith.constant 0 : i32
      %dma_start3A_121 = tpu.memref_slice %arg10[%run_scoped3A_98, %dma_start3A_119, %dma_start3A_120] : memref<2x1000x32xf32, #tpu.memory_space<vmem>> -> memref<1x1000x32xf32, #tpu.memory_space<vmem>>
      %dma_start3A_122 = tpu.memref_squeeze %dma_start3A_121 : memref<1x1000x32xf32, #tpu.memory_space<vmem>> -> memref<1000x32xf32, #tpu.memory_space<vmem>>
      tpu.enqueue_dma source(%dma_start3A_122 : memref<1000x32xf32, #tpu.memory_space<vmem>>) target(%dma_start3A_118 : memref<1000x32xf32, #tpu.memory_space<hbm>>) target_semaphore(%run_scoped3A_110 : memref<!tpu.dma_semaphore, #tpu.memory_space<semaphore_mem>>)
      %dma_wait3A_123 = arith.constant 0 : i32
      %dma_wait3A_124 = arith.constant 0 : i32
      %dma_wait3A_125 = tpu.memref_slice %arg10[%run_scoped3A_98, %dma_wait3A_123, %dma_wait3A_124] : memref<2x1000x32xf32, #tpu.memory_space<vmem>> -> memref<1x1000x32xf32, #tpu.memory_space<vmem>>
      %dma_wait3A_126 = tpu.memref_squeeze %dma_wait3A_125 : memref<1x1000x32xf32, #tpu.memory_space<vmem>> -> memref<1000x32xf32, #tpu.memory_space<vmem>>
      %dma_wait3A_127 = arith.constant 0 : i32
      %dma_wait3A_128 = tpu.memref_slice %arg4[%add3A_97, %dma_wait3A_127] : memref<160000x32xf32, #tpu.memory_space<hbm>> -> memref<1000x32xf32, #tpu.memory_space<hbm>>
      %dma_wait3A_129 = arith.constant 0 : i32
      %dma_wait3A_130 = tpu.memref_slice %arg4[%add3A_97, %dma_wait3A_129] : memref<160000x32xf32, #tpu.memory_space<hbm>> -> memref<1000x32xf32, #tpu.memory_space<hbm>>
      %dma_wait3A_131 = arith.constant 0 : i32
      %dma_wait3A_132 = arith.constant 0 : i32
      %dma_wait3A_133 = tpu.memref_slice %arg10[%run_scoped3A_98, %dma_wait3A_131, %dma_wait3A_132] : memref<2x1000x32xf32, #tpu.memory_space<vmem>> -> memref<1x1000x32xf32, #tpu.memory_space<vmem>>
      %dma_wait3A_134 = tpu.memref_squeeze %dma_wait3A_133 : memref<1x1000x32xf32, #tpu.memory_space<vmem>> -> memref<1000x32xf32, #tpu.memory_space<vmem>>
      tpu.wait_dma2 semaphore(%run_scoped3A_110 : memref<!tpu.dma_semaphore, #tpu.memory_space<semaphore_mem>>) src(%dma_wait3A_134 : memref<1000x32xf32, #tpu.memory_space<vmem>>) dst(%dma_wait3A_130 : memref<1000x32xf32, #tpu.memory_space<hbm>>)
      tpu.yield
    }) : () -> ()
    %dma_wait3A_99 = arith.constant 0 : i32
    %dma_wait3A_100 = arith.constant 0 : i32
    %dma_wait3A_101 = arith.constant 0 : i32
    %dma_wait3A_102 = tpu.memref_slice %arg10[%dma_wait3A_99, %dma_wait3A_100, %dma_wait3A_101] : memref<2x1000x32xf32, #tpu.memory_space<vmem>> -> memref<1x1000x32xf32, #tpu.memory_space<vmem>>
    %dma_wait3A_103 = tpu.memref_squeeze %dma_wait3A_102 : memref<1x1000x32xf32, #tpu.memory_space<vmem>> -> memref<1000x32xf32, #tpu.memory_space<vmem>>
    %dma_wait3A_104 = arith.constant 0 : i32
    %dma_wait3A_105 = arith.constant 0 : i32
    %dma_wait3A_106 = tpu.memref_slice %arg2[%dma_wait3A_104, %dma_wait3A_105] : memref<10000x32xf32, #tpu.memory_space<hbm>> -> memref<10000x32xf32, #tpu.memory_space<hbm>>
    tpu.wait_indirect_dma semaphore(%arg11 : memref<!tpu.dma_semaphore, #tpu.memory_space<semaphore_mem>>) src(%dma_wait3A_106 : memref<10000x32xf32, #tpu.memory_space<hbm>>) dst(%dma_wait3A_103 : memref<1000x32xf32, #tpu.memory_space<vmem>>)
    %add3A_107 = arith.constant 4000 : i32
    %add3A_108 = arith.addi %mul3A_2, %add3A_107 : i32
    %run_scoped3A_109 = arith.constant 0 : i32
    "tpu.region"() ({
      %run_scoped3A_110 = tpu.sem_alloc : memref<!tpu.dma_semaphore, #tpu.memory_space<semaphore_mem>>
      %dma_start3A_111 = arith.constant 0 : i32
      %dma_start3A_112 = arith.constant 0 : i32
      %dma_start3A_113 = tpu.memref_slice %arg10[%run_scoped3A_109, %dma_start3A_111, %dma_start3A_112] : memref<2x1000x32xf32, #tpu.memory_space<vmem>> -> memref<1x1000x32xf32, #tpu.memory_space<vmem>>
      %dma_start3A_114 = tpu.memref_squeeze %dma_start3A_113 : memref<1x1000x32xf32, #tpu.memory_space<vmem>> -> memref<1000x32xf32, #tpu.memory_space<vmem>>
      %dma_start3A_115 = arith.constant 0 : i32
      %dma_start3A_116 = tpu.memref_slice %arg4[%add3A_108, %dma_start3A_115] : memref<160000x32xf32, #tpu.memory_space<hbm>> -> memref<1000x32xf32, #tpu.memory_space<hbm>>
      %dma_start3A_117 = arith.constant 0 : i32
      %dma_start3A_118 = tpu.memref_slice %arg4[%add3A_108, %dma_start3A_117] : memref<160000x32xf32, #tpu.memory_space<hbm>> -> memref<1000x32xf32, #tpu.memory_space<hbm>>
      %dma_start3A_119 = arith.constant 0 : i32
      %dma_start3A_120 = arith.constant 0 : i32
      %dma_start3A_121 = tpu.memref_slice %arg10[%run_scoped3A_109, %dma_start3A_119, %dma_start3A_120] : memref<2x1000x32xf32, #tpu.memory_space<vmem>> -> memref<1x1000x32xf32, #tpu.memory_space<vmem>>
      %dma_start3A_122 = tpu.memref_squeeze %dma_start3A_121 : memref<1x1000x32xf32, #tpu.memory_space<vmem>> -> memref<1000x32xf32, #tpu.memory_space<vmem>>
      tpu.enqueue_dma source(%dma_start3A_122 : memref<1000x32xf32, #tpu.memory_space<vmem>>) target(%dma_start3A_118 : memref<1000x32xf32, #tpu.memory_space<hbm>>) target_semaphore(%run_scoped3A_110 : memref<!tpu.dma_semaphore, #tpu.memory_space<semaphore_mem>>)
      %dma_wait3A_123 = arith.constant 0 : i32
      %dma_wait3A_124 = arith.constant 0 : i32
      %dma_wait3A_125 = tpu.memref_slice %arg10[%run_scoped3A_109, %dma_wait3A_123, %dma_wait3A_124] : memref<2x1000x32xf32, #tpu.memory_space<vmem>> -> memref<1x1000x32xf32, #tpu.memory_space<vmem>>
      %dma_wait3A_126 = tpu.memref_squeeze %dma_wait3A_125 : memref<1x1000x32xf32, #tpu.memory_space<vmem>> -> memref<1000x32xf32, #tpu.memory_space<vmem>>
      %dma_wait3A_127 = arith.constant 0 : i32
      %dma_wait3A_128 = tpu.memref_slice %arg4[%add3A_108, %dma_wait3A_127] : memref<160000x32xf32, #tpu.memory_space<hbm>> -> memref<1000x32xf32, #tpu.memory_space<hbm>>
      %dma_wait3A_129 = arith.constant 0 : i32
      %dma_wait3A_130 = tpu.memref_slice %arg4[%add3A_108, %dma_wait3A_129] : memref<160000x32xf32, #tpu.memory_space<hbm>> -> memref<1000x32xf32, #tpu.memory_space<hbm>>
      %dma_wait3A_131 = arith.constant 0 : i32
      %dma_wait3A_132 = arith.constant 0 : i32
      %dma_wait3A_133 = tpu.memref_slice %arg10[%run_scoped3A_109, %dma_wait3A_131, %dma_wait3A_132] : memref<2x1000x32xf32, #tpu.memory_space<vmem>> -> memref<1x1000x32xf32, #tpu.memory_space<vmem>>
      %dma_wait3A_134 = tpu.memref_squeeze %dma_wait3A_133 : memref<1x1000x32xf32, #tpu.memory_space<vmem>> -> memref<1000x32xf32, #tpu.memory_space<vmem>>
      tpu.wait_dma2 semaphore(%run_scoped3A_110 : memref<!tpu.dma_semaphore, #tpu.memory_space<semaphore_mem>>) src(%dma_wait3A_134 : memref<1000x32xf32, #tpu.memory_space<vmem>>) dst(%dma_wait3A_130 : memref<1000x32xf32, #tpu.memory_space<hbm>>)
      tpu.yield
    }) : () -> ()
    return
  }
}

module attributes {stable_mosaic.version = 14 : i64} {
  func.func @_tc_fold_body(%arg0: i32, %arg1: memref<2000x128xf32, #tpu.memory_space<vmem>>, %arg2: memref<1x64x2000xf32, #tpu.memory_space<vmem>>, %arg3: memref<2176x128xf32, #tpu.memory_space<vmem>>, %arg4: memref<2000x128xf32, #tpu.memory_space<vmem>>) attributes {dimension_semantics = [#tpu.dimension_semantics<arbitrary>], iteration_bounds = array<i64: 20>, scalar_prefetch = 0 : i64, scratch_operands = 0 : i64, tpu.core_type = #tpu.core_type<tc>, window_params = [{transform_indices = @transform_0, window_bounds = array<i64: 2000, 128>}, {transform_indices = @transform_1, window_bounds = array<i64: 1, 64, 2000>}, {pipeline_mode = #tpu.pipeline_mode<synchronous>, transform_indices = @transform_2, window_bounds = array<i64: 2176, 128>}, {transform_indices = @transform_3, window_bounds = array<i64: 2000, 128>}]} {
    %get3A = arith.constant 0 : index
    %get3A_0 = arith.constant 0 : index
    %get3A_1 = vector.load %arg1[%get3A, %get3A_0] : memref<2000x128xf32, #tpu.memory_space<vmem>>, vector<2000x128xf32>
    %transpose3A = tpu.transpose %get3A_1, [1, 0] : vector<2000x128xf32> -> vector<128x2000xf32>
    %convert_element_type3A = arith.truncf %transpose3A : vector<128x2000xf32> to vector<128x2000xbf16>
    %get3A_2 = arith.constant 0 : index
    %get3A_3 = arith.constant 0 : index
    %get3A_4 = vector.load %arg3[%get3A_2, %get3A_3] : memref<2176x128xf32, #tpu.memory_space<vmem>>, vector<2176x128xf32>
    %convert_element_type3A_5 = arith.truncf %get3A_4 : vector<2176x128xf32> to vector<2176x128xbf16>
    %dot_general3A = arith.constant dense<0.000000e+00> : vector<2176x2000xf32>
    %dot_general3A_6 = tpu.matmul %convert_element_type3A_5, %convert_element_type3A, %dot_general3A {dimension_numbers = #tpu.dot_dimension_numbers<[1], [0], [0], [1], [0, 0, 1, 1], [], []>, transpose_lhs_hint = false} : vector<2176x128xbf16>, vector<128x2000xbf16>, vector<2176x2000xf32> -> vector<2176x2000xf32>
    %get3A_7 = arith.constant 0 : index
    %get3A_8 = arith.constant 0 : index
    %get3A_9 = arith.constant 0 : index
    %get3A_10 = vector.load %arg2[%get3A_7, %get3A_8, %get3A_9] : memref<1x64x2000xf32, #tpu.memory_space<vmem>>, vector<1x64x2000xf32>
    %get3A_11 = vector.shape_cast %get3A_10 : vector<1x64x2000xf32> to vector<64x2000xf32>
    %slice3A = vector.extract_strided_slice %dot_general3A_6 {offsets = [512, 0], sizes = [32, 2000], strides = [1, 1]} : vector<2176x2000xf32> to vector<32x2000xf32>
    %slice3A_12 = vector.extract_strided_slice %get3A_11 {offsets = [0, 0], sizes = [1, 2000], strides = [1, 1]} : vector<64x2000xf32> to vector<1x2000xf32>
    %slice3A_13 = vector.extract_strided_slice %dot_general3A_6 {offsets = [0, 0], sizes = [32, 2000], strides = [1, 1]} : vector<2176x2000xf32> to vector<32x2000xf32>
    %mul3A = vector.broadcast %slice3A_12 : vector<1x2000xf32> to vector<32x2000xf32>
    %mul3A_14 = arith.mulf %mul3A, %slice3A_13 : vector<32x2000xf32>
    %add3A = arith.addf %slice3A, %mul3A_14 : vector<32x2000xf32>
    %slice3A_15 = vector.extract_strided_slice %get3A_11 {offsets = [1, 0], sizes = [1, 2000], strides = [1, 1]} : vector<64x2000xf32> to vector<1x2000xf32>
    %slice3A_16 = vector.extract_strided_slice %dot_general3A_6 {offsets = [32, 0], sizes = [32, 2000], strides = [1, 1]} : vector<2176x2000xf32> to vector<32x2000xf32>
    %mul3A_17 = vector.broadcast %slice3A_15 : vector<1x2000xf32> to vector<32x2000xf32>
    %mul3A_18 = arith.mulf %mul3A_17, %slice3A_16 : vector<32x2000xf32>
    %add3A_19 = arith.addf %add3A, %mul3A_18 : vector<32x2000xf32>
    %slice3A_20 = vector.extract_strided_slice %get3A_11 {offsets = [2, 0], sizes = [1, 2000], strides = [1, 1]} : vector<64x2000xf32> to vector<1x2000xf32>
    %slice3A_21 = vector.extract_strided_slice %dot_general3A_6 {offsets = [64, 0], sizes = [32, 2000], strides = [1, 1]} : vector<2176x2000xf32> to vector<32x2000xf32>
    %mul3A_22 = vector.broadcast %slice3A_20 : vector<1x2000xf32> to vector<32x2000xf32>
    %mul3A_23 = arith.mulf %mul3A_22, %slice3A_21 : vector<32x2000xf32>
    %add3A_24 = arith.addf %add3A_19, %mul3A_23 : vector<32x2000xf32>
    %slice3A_25 = vector.extract_strided_slice %get3A_11 {offsets = [3, 0], sizes = [1, 2000], strides = [1, 1]} : vector<64x2000xf32> to vector<1x2000xf32>
    %slice3A_26 = vector.extract_strided_slice %dot_general3A_6 {offsets = [96, 0], sizes = [32, 2000], strides = [1, 1]} : vector<2176x2000xf32> to vector<32x2000xf32>
    %mul3A_27 = vector.broadcast %slice3A_25 : vector<1x2000xf32> to vector<32x2000xf32>
    %mul3A_28 = arith.mulf %mul3A_27, %slice3A_26 : vector<32x2000xf32>
    %add3A_29 = arith.addf %add3A_24, %mul3A_28 : vector<32x2000xf32>
    %slice3A_30 = vector.extract_strided_slice %get3A_11 {offsets = [4, 0], sizes = [1, 2000], strides = [1, 1]} : vector<64x2000xf32> to vector<1x2000xf32>
    %slice3A_31 = vector.extract_strided_slice %dot_general3A_6 {offsets = [128, 0], sizes = [32, 2000], strides = [1, 1]} : vector<2176x2000xf32> to vector<32x2000xf32>
    %mul3A_32 = vector.broadcast %slice3A_30 : vector<1x2000xf32> to vector<32x2000xf32>
    %mul3A_33 = arith.mulf %mul3A_32, %slice3A_31 : vector<32x2000xf32>
    %add3A_34 = arith.addf %add3A_29, %mul3A_33 : vector<32x2000xf32>
    %slice3A_35 = vector.extract_strided_slice %get3A_11 {offsets = [5, 0], sizes = [1, 2000], strides = [1, 1]} : vector<64x2000xf32> to vector<1x2000xf32>
    %slice3A_36 = vector.extract_strided_slice %dot_general3A_6 {offsets = [160, 0], sizes = [32, 2000], strides = [1, 1]} : vector<2176x2000xf32> to vector<32x2000xf32>
    %mul3A_37 = vector.broadcast %slice3A_35 : vector<1x2000xf32> to vector<32x2000xf32>
    %mul3A_38 = arith.mulf %mul3A_37, %slice3A_36 : vector<32x2000xf32>
    %add3A_39 = arith.addf %add3A_34, %mul3A_38 : vector<32x2000xf32>
    %slice3A_40 = vector.extract_strided_slice %get3A_11 {offsets = [6, 0], sizes = [1, 2000], strides = [1, 1]} : vector<64x2000xf32> to vector<1x2000xf32>
    %slice3A_41 = vector.extract_strided_slice %dot_general3A_6 {offsets = [192, 0], sizes = [32, 2000], strides = [1, 1]} : vector<2176x2000xf32> to vector<32x2000xf32>
    %mul3A_42 = vector.broadcast %slice3A_40 : vector<1x2000xf32> to vector<32x2000xf32>
    %mul3A_43 = arith.mulf %mul3A_42, %slice3A_41 : vector<32x2000xf32>
    %add3A_44 = arith.addf %add3A_39, %mul3A_43 : vector<32x2000xf32>
    %slice3A_45 = vector.extract_strided_slice %get3A_11 {offsets = [7, 0], sizes = [1, 2000], strides = [1, 1]} : vector<64x2000xf32> to vector<1x2000xf32>
    %slice3A_46 = vector.extract_strided_slice %dot_general3A_6 {offsets = [224, 0], sizes = [32, 2000], strides = [1, 1]} : vector<2176x2000xf32> to vector<32x2000xf32>
    %mul3A_47 = vector.broadcast %slice3A_45 : vector<1x2000xf32> to vector<32x2000xf32>
    %mul3A_48 = arith.mulf %mul3A_47, %slice3A_46 : vector<32x2000xf32>
    %add3A_49 = arith.addf %add3A_44, %mul3A_48 : vector<32x2000xf32>
    %slice3A_50 = vector.extract_strided_slice %get3A_11 {offsets = [8, 0], sizes = [1, 2000], strides = [1, 1]} : vector<64x2000xf32> to vector<1x2000xf32>
    %slice3A_51 = vector.extract_strided_slice %dot_general3A_6 {offsets = [256, 0], sizes = [32, 2000], strides = [1, 1]} : vector<2176x2000xf32> to vector<32x2000xf32>
    %mul3A_52 = vector.broadcast %slice3A_50 : vector<1x2000xf32> to vector<32x2000xf32>
    %mul3A_53 = arith.mulf %mul3A_52, %slice3A_51 : vector<32x2000xf32>
    %add3A_54 = arith.addf %add3A_49, %mul3A_53 : vector<32x2000xf32>
    %slice3A_55 = vector.extract_strided_slice %get3A_11 {offsets = [9, 0], sizes = [1, 2000], strides = [1, 1]} : vector<64x2000xf32> to vector<1x2000xf32>
    %slice3A_56 = vector.extract_strided_slice %dot_general3A_6 {offsets = [288, 0], sizes = [32, 2000], strides = [1, 1]} : vector<2176x2000xf32> to vector<32x2000xf32>
    %mul3A_57 = vector.broadcast %slice3A_55 : vector<1x2000xf32> to vector<32x2000xf32>
    %mul3A_58 = arith.mulf %mul3A_57, %slice3A_56 : vector<32x2000xf32>
    %add3A_59 = arith.addf %add3A_54, %mul3A_58 : vector<32x2000xf32>
    %slice3A_60 = vector.extract_strided_slice %get3A_11 {offsets = [10, 0], sizes = [1, 2000], strides = [1, 1]} : vector<64x2000xf32> to vector<1x2000xf32>
    %slice3A_61 = vector.extract_strided_slice %dot_general3A_6 {offsets = [320, 0], sizes = [32, 2000], strides = [1, 1]} : vector<2176x2000xf32> to vector<32x2000xf32>
    %mul3A_62 = vector.broadcast %slice3A_60 : vector<1x2000xf32> to vector<32x2000xf32>
    %mul3A_63 = arith.mulf %mul3A_62, %slice3A_61 : vector<32x2000xf32>
    %add3A_64 = arith.addf %add3A_59, %mul3A_63 : vector<32x2000xf32>
    %slice3A_65 = vector.extract_strided_slice %get3A_11 {offsets = [11, 0], sizes = [1, 2000], strides = [1, 1]} : vector<64x2000xf32> to vector<1x2000xf32>
    %slice3A_66 = vector.extract_strided_slice %dot_general3A_6 {offsets = [352, 0], sizes = [32, 2000], strides = [1, 1]} : vector<2176x2000xf32> to vector<32x2000xf32>
    %mul3A_67 = vector.broadcast %slice3A_65 : vector<1x2000xf32> to vector<32x2000xf32>
    %mul3A_68 = arith.mulf %mul3A_67, %slice3A_66 : vector<32x2000xf32>
    %add3A_69 = arith.addf %add3A_64, %mul3A_68 : vector<32x2000xf32>
    %slice3A_70 = vector.extract_strided_slice %get3A_11 {offsets = [12, 0], sizes = [1, 2000], strides = [1, 1]} : vector<64x2000xf32> to vector<1x2000xf32>
    %slice3A_71 = vector.extract_strided_slice %dot_general3A_6 {offsets = [384, 0], sizes = [32, 2000], strides = [1, 1]} : vector<2176x2000xf32> to vector<32x2000xf32>
    %mul3A_72 = vector.broadcast %slice3A_70 : vector<1x2000xf32> to vector<32x2000xf32>
    %mul3A_73 = arith.mulf %mul3A_72, %slice3A_71 : vector<32x2000xf32>
    %add3A_74 = arith.addf %add3A_69, %mul3A_73 : vector<32x2000xf32>
    %slice3A_75 = vector.extract_strided_slice %get3A_11 {offsets = [13, 0], sizes = [1, 2000], strides = [1, 1]} : vector<64x2000xf32> to vector<1x2000xf32>
    %slice3A_76 = vector.extract_strided_slice %dot_general3A_6 {offsets = [416, 0], sizes = [32, 2000], strides = [1, 1]} : vector<2176x2000xf32> to vector<32x2000xf32>
    %mul3A_77 = vector.broadcast %slice3A_75 : vector<1x2000xf32> to vector<32x2000xf32>
    %mul3A_78 = arith.mulf %mul3A_77, %slice3A_76 : vector<32x2000xf32>
    %add3A_79 = arith.addf %add3A_74, %mul3A_78 : vector<32x2000xf32>
    %slice3A_80 = vector.extract_strided_slice %get3A_11 {offsets = [14, 0], sizes = [1, 2000], strides = [1, 1]} : vector<64x2000xf32> to vector<1x2000xf32>
    %slice3A_81 = vector.extract_strided_slice %dot_general3A_6 {offsets = [448, 0], sizes = [32, 2000], strides = [1, 1]} : vector<2176x2000xf32> to vector<32x2000xf32>
    %mul3A_82 = vector.broadcast %slice3A_80 : vector<1x2000xf32> to vector<32x2000xf32>
    %mul3A_83 = arith.mulf %mul3A_82, %slice3A_81 : vector<32x2000xf32>
    %add3A_84 = arith.addf %add3A_79, %mul3A_83 : vector<32x2000xf32>
    %slice3A_85 = vector.extract_strided_slice %get3A_11 {offsets = [15, 0], sizes = [1, 2000], strides = [1, 1]} : vector<64x2000xf32> to vector<1x2000xf32>
    %slice3A_86 = vector.extract_strided_slice %dot_general3A_6 {offsets = [480, 0], sizes = [32, 2000], strides = [1, 1]} : vector<2176x2000xf32> to vector<32x2000xf32>
    %mul3A_87 = vector.broadcast %slice3A_85 : vector<1x2000xf32> to vector<32x2000xf32>
    %mul3A_88 = arith.mulf %mul3A_87, %slice3A_86 : vector<32x2000xf32>
    %add3A_89 = arith.addf %add3A_84, %mul3A_88 : vector<32x2000xf32>
    %slice3A_90 = vector.extract_strided_slice %dot_general3A_6 {offsets = [1056, 0], sizes = [32, 2000], strides = [1, 1]} : vector<2176x2000xf32> to vector<32x2000xf32>
    %slice3A_91 = vector.extract_strided_slice %get3A_11 {offsets = [16, 0], sizes = [1, 2000], strides = [1, 1]} : vector<64x2000xf32> to vector<1x2000xf32>
    %slice3A_92 = vector.extract_strided_slice %dot_general3A_6 {offsets = [544, 0], sizes = [32, 2000], strides = [1, 1]} : vector<2176x2000xf32> to vector<32x2000xf32>
    %mul3A_93 = vector.broadcast %slice3A_91 : vector<1x2000xf32> to vector<32x2000xf32>
    %mul3A_94 = arith.mulf %mul3A_93, %slice3A_92 : vector<32x2000xf32>
    %add3A_95 = arith.addf %slice3A_90, %mul3A_94 : vector<32x2000xf32>
    %slice3A_96 = vector.extract_strided_slice %get3A_11 {offsets = [17, 0], sizes = [1, 2000], strides = [1, 1]} : vector<64x2000xf32> to vector<1x2000xf32>
    %slice3A_97 = vector.extract_strided_slice %dot_general3A_6 {offsets = [576, 0], sizes = [32, 2000], strides = [1, 1]} : vector<2176x2000xf32> to vector<32x2000xf32>
    %mul3A_98 = vector.broadcast %slice3A_96 : vector<1x2000xf32> to vector<32x2000xf32>
    %mul3A_99 = arith.mulf %mul3A_98, %slice3A_97 : vector<32x2000xf32>
    %add3A_100 = arith.addf %add3A_95, %mul3A_99 : vector<32x2000xf32>
    %slice3A_101 = vector.extract_strided_slice %get3A_11 {offsets = [18, 0], sizes = [1, 2000], strides = [1, 1]} : vector<64x2000xf32> to vector<1x2000xf32>
    %slice3A_102 = vector.extract_strided_slice %dot_general3A_6 {offsets = [608, 0], sizes = [32, 2000], strides = [1, 1]} : vector<2176x2000xf32> to vector<32x2000xf32>
    %mul3A_103 = vector.broadcast %slice3A_101 : vector<1x2000xf32> to vector<32x2000xf32>
    %mul3A_104 = arith.mulf %mul3A_103, %slice3A_102 : vector<32x2000xf32>
    %add3A_105 = arith.addf %add3A_100, %mul3A_104 : vector<32x2000xf32>
    %slice3A_106 = vector.extract_strided_slice %get3A_11 {offsets = [19, 0], sizes = [1, 2000], strides = [1, 1]} : vector<64x2000xf32> to vector<1x2000xf32>
    %slice3A_107 = vector.extract_strided_slice %dot_general3A_6 {offsets = [640, 0], sizes = [32, 2000], strides = [1, 1]} : vector<2176x2000xf32> to vector<32x2000xf32>
    %mul3A_108 = vector.broadcast %slice3A_106 : vector<1x2000xf32> to vector<32x2000xf32>
    %mul3A_109 = arith.mulf %mul3A_108, %slice3A_107 : vector<32x2000xf32>
    %add3A_110 = arith.addf %add3A_105, %mul3A_109 : vector<32x2000xf32>
    %slice3A_111 = vector.extract_strided_slice %get3A_11 {offsets = [20, 0], sizes = [1, 2000], strides = [1, 1]} : vector<64x2000xf32> to vector<1x2000xf32>
    %slice3A_112 = vector.extract_strided_slice %dot_general3A_6 {offsets = [672, 0], sizes = [32, 2000], strides = [1, 1]} : vector<2176x2000xf32> to vector<32x2000xf32>
    %mul3A_113 = vector.broadcast %slice3A_111 : vector<1x2000xf32> to vector<32x2000xf32>
    %mul3A_114 = arith.mulf %mul3A_113, %slice3A_112 : vector<32x2000xf32>
    %add3A_115 = arith.addf %add3A_110, %mul3A_114 : vector<32x2000xf32>
    %slice3A_116 = vector.extract_strided_slice %get3A_11 {offsets = [21, 0], sizes = [1, 2000], strides = [1, 1]} : vector<64x2000xf32> to vector<1x2000xf32>
    %slice3A_117 = vector.extract_strided_slice %dot_general3A_6 {offsets = [704, 0], sizes = [32, 2000], strides = [1, 1]} : vector<2176x2000xf32> to vector<32x2000xf32>
    %mul3A_118 = vector.broadcast %slice3A_116 : vector<1x2000xf32> to vector<32x2000xf32>
    %mul3A_119 = arith.mulf %mul3A_118, %slice3A_117 : vector<32x2000xf32>
    %add3A_120 = arith.addf %add3A_115, %mul3A_119 : vector<32x2000xf32>
    %slice3A_121 = vector.extract_strided_slice %get3A_11 {offsets = [22, 0], sizes = [1, 2000], strides = [1, 1]} : vector<64x2000xf32> to vector<1x2000xf32>
    %slice3A_122 = vector.extract_strided_slice %dot_general3A_6 {offsets = [736, 0], sizes = [32, 2000], strides = [1, 1]} : vector<2176x2000xf32> to vector<32x2000xf32>
    %mul3A_123 = vector.broadcast %slice3A_121 : vector<1x2000xf32> to vector<32x2000xf32>
    %mul3A_124 = arith.mulf %mul3A_123, %slice3A_122 : vector<32x2000xf32>
    %add3A_125 = arith.addf %add3A_120, %mul3A_124 : vector<32x2000xf32>
    %slice3A_126 = vector.extract_strided_slice %get3A_11 {offsets = [23, 0], sizes = [1, 2000], strides = [1, 1]} : vector<64x2000xf32> to vector<1x2000xf32>
    %slice3A_127 = vector.extract_strided_slice %dot_general3A_6 {offsets = [768, 0], sizes = [32, 2000], strides = [1, 1]} : vector<2176x2000xf32> to vector<32x2000xf32>
    %mul3A_128 = vector.broadcast %slice3A_126 : vector<1x2000xf32> to vector<32x2000xf32>
    %mul3A_129 = arith.mulf %mul3A_128, %slice3A_127 : vector<32x2000xf32>
    %add3A_130 = arith.addf %add3A_125, %mul3A_129 : vector<32x2000xf32>
    %slice3A_131 = vector.extract_strided_slice %get3A_11 {offsets = [24, 0], sizes = [1, 2000], strides = [1, 1]} : vector<64x2000xf32> to vector<1x2000xf32>
    %slice3A_132 = vector.extract_strided_slice %dot_general3A_6 {offsets = [800, 0], sizes = [32, 2000], strides = [1, 1]} : vector<2176x2000xf32> to vector<32x2000xf32>
    %mul3A_133 = vector.broadcast %slice3A_131 : vector<1x2000xf32> to vector<32x2000xf32>
    %mul3A_134 = arith.mulf %mul3A_133, %slice3A_132 : vector<32x2000xf32>
    %add3A_135 = arith.addf %add3A_130, %mul3A_134 : vector<32x2000xf32>
    %slice3A_136 = vector.extract_strided_slice %get3A_11 {offsets = [25, 0], sizes = [1, 2000], strides = [1, 1]} : vector<64x2000xf32> to vector<1x2000xf32>
    %slice3A_137 = vector.extract_strided_slice %dot_general3A_6 {offsets = [832, 0], sizes = [32, 2000], strides = [1, 1]} : vector<2176x2000xf32> to vector<32x2000xf32>
    %mul3A_138 = vector.broadcast %slice3A_136 : vector<1x2000xf32> to vector<32x2000xf32>
    %mul3A_139 = arith.mulf %mul3A_138, %slice3A_137 : vector<32x2000xf32>
    %add3A_140 = arith.addf %add3A_135, %mul3A_139 : vector<32x2000xf32>
    %slice3A_141 = vector.extract_strided_slice %get3A_11 {offsets = [26, 0], sizes = [1, 2000], strides = [1, 1]} : vector<64x2000xf32> to vector<1x2000xf32>
    %slice3A_142 = vector.extract_strided_slice %dot_general3A_6 {offsets = [864, 0], sizes = [32, 2000], strides = [1, 1]} : vector<2176x2000xf32> to vector<32x2000xf32>
    %mul3A_143 = vector.broadcast %slice3A_141 : vector<1x2000xf32> to vector<32x2000xf32>
    %mul3A_144 = arith.mulf %mul3A_143, %slice3A_142 : vector<32x2000xf32>
    %add3A_145 = arith.addf %add3A_140, %mul3A_144 : vector<32x2000xf32>
    %slice3A_146 = vector.extract_strided_slice %get3A_11 {offsets = [27, 0], sizes = [1, 2000], strides = [1, 1]} : vector<64x2000xf32> to vector<1x2000xf32>
    %slice3A_147 = vector.extract_strided_slice %dot_general3A_6 {offsets = [896, 0], sizes = [32, 2000], strides = [1, 1]} : vector<2176x2000xf32> to vector<32x2000xf32>
    %mul3A_148 = vector.broadcast %slice3A_146 : vector<1x2000xf32> to vector<32x2000xf32>
    %mul3A_149 = arith.mulf %mul3A_148, %slice3A_147 : vector<32x2000xf32>
    %add3A_150 = arith.addf %add3A_145, %mul3A_149 : vector<32x2000xf32>
    %slice3A_151 = vector.extract_strided_slice %get3A_11 {offsets = [28, 0], sizes = [1, 2000], strides = [1, 1]} : vector<64x2000xf32> to vector<1x2000xf32>
    %slice3A_152 = vector.extract_strided_slice %dot_general3A_6 {offsets = [928, 0], sizes = [32, 2000], strides = [1, 1]} : vector<2176x2000xf32> to vector<32x2000xf32>
    %mul3A_153 = vector.broadcast %slice3A_151 : vector<1x2000xf32> to vector<32x2000xf32>
    %mul3A_154 = arith.mulf %mul3A_153, %slice3A_152 : vector<32x2000xf32>
    %add3A_155 = arith.addf %add3A_150, %mul3A_154 : vector<32x2000xf32>
    %slice3A_156 = vector.extract_strided_slice %get3A_11 {offsets = [29, 0], sizes = [1, 2000], strides = [1, 1]} : vector<64x2000xf32> to vector<1x2000xf32>
    %slice3A_157 = vector.extract_strided_slice %dot_general3A_6 {offsets = [960, 0], sizes = [32, 2000], strides = [1, 1]} : vector<2176x2000xf32> to vector<32x2000xf32>
    %mul3A_158 = vector.broadcast %slice3A_156 : vector<1x2000xf32> to vector<32x2000xf32>
    %mul3A_159 = arith.mulf %mul3A_158, %slice3A_157 : vector<32x2000xf32>
    %add3A_160 = arith.addf %add3A_155, %mul3A_159 : vector<32x2000xf32>
    %slice3A_161 = vector.extract_strided_slice %get3A_11 {offsets = [30, 0], sizes = [1, 2000], strides = [1, 1]} : vector<64x2000xf32> to vector<1x2000xf32>
    %slice3A_162 = vector.extract_strided_slice %dot_general3A_6 {offsets = [992, 0], sizes = [32, 2000], strides = [1, 1]} : vector<2176x2000xf32> to vector<32x2000xf32>
    %mul3A_163 = vector.broadcast %slice3A_161 : vector<1x2000xf32> to vector<32x2000xf32>
    %mul3A_164 = arith.mulf %mul3A_163, %slice3A_162 : vector<32x2000xf32>
    %add3A_165 = arith.addf %add3A_160, %mul3A_164 : vector<32x2000xf32>
    %slice3A_166 = vector.extract_strided_slice %get3A_11 {offsets = [31, 0], sizes = [1, 2000], strides = [1, 1]} : vector<64x2000xf32> to vector<1x2000xf32>
    %slice3A_167 = vector.extract_strided_slice %dot_general3A_6 {offsets = [1024, 0], sizes = [32, 2000], strides = [1, 1]} : vector<2176x2000xf32> to vector<32x2000xf32>
    %mul3A_168 = vector.broadcast %slice3A_166 : vector<1x2000xf32> to vector<32x2000xf32>
    %mul3A_169 = arith.mulf %mul3A_168, %slice3A_167 : vector<32x2000xf32>
    %add3A_170 = arith.addf %add3A_165, %mul3A_169 : vector<32x2000xf32>
    %slice3A_171 = vector.extract_strided_slice %dot_general3A_6 {offsets = [1600, 0], sizes = [32, 2000], strides = [1, 1]} : vector<2176x2000xf32> to vector<32x2000xf32>
    %slice3A_172 = vector.extract_strided_slice %get3A_11 {offsets = [32, 0], sizes = [1, 2000], strides = [1, 1]} : vector<64x2000xf32> to vector<1x2000xf32>
    %slice3A_173 = vector.extract_strided_slice %dot_general3A_6 {offsets = [1088, 0], sizes = [32, 2000], strides = [1, 1]} : vector<2176x2000xf32> to vector<32x2000xf32>
    %mul3A_174 = vector.broadcast %slice3A_172 : vector<1x2000xf32> to vector<32x2000xf32>
    %mul3A_175 = arith.mulf %mul3A_174, %slice3A_173 : vector<32x2000xf32>
    %add3A_176 = arith.addf %slice3A_171, %mul3A_175 : vector<32x2000xf32>
    %slice3A_177 = vector.extract_strided_slice %get3A_11 {offsets = [33, 0], sizes = [1, 2000], strides = [1, 1]} : vector<64x2000xf32> to vector<1x2000xf32>
    %slice3A_178 = vector.extract_strided_slice %dot_general3A_6 {offsets = [1120, 0], sizes = [32, 2000], strides = [1, 1]} : vector<2176x2000xf32> to vector<32x2000xf32>
    %mul3A_179 = vector.broadcast %slice3A_177 : vector<1x2000xf32> to vector<32x2000xf32>
    %mul3A_180 = arith.mulf %mul3A_179, %slice3A_178 : vector<32x2000xf32>
    %add3A_181 = arith.addf %add3A_176, %mul3A_180 : vector<32x2000xf32>
    %slice3A_182 = vector.extract_strided_slice %get3A_11 {offsets = [34, 0], sizes = [1, 2000], strides = [1, 1]} : vector<64x2000xf32> to vector<1x2000xf32>
    %slice3A_183 = vector.extract_strided_slice %dot_general3A_6 {offsets = [1152, 0], sizes = [32, 2000], strides = [1, 1]} : vector<2176x2000xf32> to vector<32x2000xf32>
    %mul3A_184 = vector.broadcast %slice3A_182 : vector<1x2000xf32> to vector<32x2000xf32>
    %mul3A_185 = arith.mulf %mul3A_184, %slice3A_183 : vector<32x2000xf32>
    %add3A_186 = arith.addf %add3A_181, %mul3A_185 : vector<32x2000xf32>
    %slice3A_187 = vector.extract_strided_slice %get3A_11 {offsets = [35, 0], sizes = [1, 2000], strides = [1, 1]} : vector<64x2000xf32> to vector<1x2000xf32>
    %slice3A_188 = vector.extract_strided_slice %dot_general3A_6 {offsets = [1184, 0], sizes = [32, 2000], strides = [1, 1]} : vector<2176x2000xf32> to vector<32x2000xf32>
    %mul3A_189 = vector.broadcast %slice3A_187 : vector<1x2000xf32> to vector<32x2000xf32>
    %mul3A_190 = arith.mulf %mul3A_189, %slice3A_188 : vector<32x2000xf32>
    %add3A_191 = arith.addf %add3A_186, %mul3A_190 : vector<32x2000xf32>
    %slice3A_192 = vector.extract_strided_slice %get3A_11 {offsets = [36, 0], sizes = [1, 2000], strides = [1, 1]} : vector<64x2000xf32> to vector<1x2000xf32>
    %slice3A_193 = vector.extract_strided_slice %dot_general3A_6 {offsets = [1216, 0], sizes = [32, 2000], strides = [1, 1]} : vector<2176x2000xf32> to vector<32x2000xf32>
    %mul3A_194 = vector.broadcast %slice3A_192 : vector<1x2000xf32> to vector<32x2000xf32>
    %mul3A_195 = arith.mulf %mul3A_194, %slice3A_193 : vector<32x2000xf32>
    %add3A_196 = arith.addf %add3A_191, %mul3A_195 : vector<32x2000xf32>
    %slice3A_197 = vector.extract_strided_slice %get3A_11 {offsets = [37, 0], sizes = [1, 2000], strides = [1, 1]} : vector<64x2000xf32> to vector<1x2000xf32>
    %slice3A_198 = vector.extract_strided_slice %dot_general3A_6 {offsets = [1248, 0], sizes = [32, 2000], strides = [1, 1]} : vector<2176x2000xf32> to vector<32x2000xf32>
    %mul3A_199 = vector.broadcast %slice3A_197 : vector<1x2000xf32> to vector<32x2000xf32>
    %mul3A_200 = arith.mulf %mul3A_199, %slice3A_198 : vector<32x2000xf32>
    %add3A_201 = arith.addf %add3A_196, %mul3A_200 : vector<32x2000xf32>
    %slice3A_202 = vector.extract_strided_slice %get3A_11 {offsets = [38, 0], sizes = [1, 2000], strides = [1, 1]} : vector<64x2000xf32> to vector<1x2000xf32>
    %slice3A_203 = vector.extract_strided_slice %dot_general3A_6 {offsets = [1280, 0], sizes = [32, 2000], strides = [1, 1]} : vector<2176x2000xf32> to vector<32x2000xf32>
    %mul3A_204 = vector.broadcast %slice3A_202 : vector<1x2000xf32> to vector<32x2000xf32>
    %mul3A_205 = arith.mulf %mul3A_204, %slice3A_203 : vector<32x2000xf32>
    %add3A_206 = arith.addf %add3A_201, %mul3A_205 : vector<32x2000xf32>
    %slice3A_207 = vector.extract_strided_slice %get3A_11 {offsets = [39, 0], sizes = [1, 2000], strides = [1, 1]} : vector<64x2000xf32> to vector<1x2000xf32>
    %slice3A_208 = vector.extract_strided_slice %dot_general3A_6 {offsets = [1312, 0], sizes = [32, 2000], strides = [1, 1]} : vector<2176x2000xf32> to vector<32x2000xf32>
    %mul3A_209 = vector.broadcast %slice3A_207 : vector<1x2000xf32> to vector<32x2000xf32>
    %mul3A_210 = arith.mulf %mul3A_209, %slice3A_208 : vector<32x2000xf32>
    %add3A_211 = arith.addf %add3A_206, %mul3A_210 : vector<32x2000xf32>
    %slice3A_212 = vector.extract_strided_slice %get3A_11 {offsets = [40, 0], sizes = [1, 2000], strides = [1, 1]} : vector<64x2000xf32> to vector<1x2000xf32>
    %slice3A_213 = vector.extract_strided_slice %dot_general3A_6 {offsets = [1344, 0], sizes = [32, 2000], strides = [1, 1]} : vector<2176x2000xf32> to vector<32x2000xf32>
    %mul3A_214 = vector.broadcast %slice3A_212 : vector<1x2000xf32> to vector<32x2000xf32>
    %mul3A_215 = arith.mulf %mul3A_214, %slice3A_213 : vector<32x2000xf32>
    %add3A_216 = arith.addf %add3A_211, %mul3A_215 : vector<32x2000xf32>
    %slice3A_217 = vector.extract_strided_slice %get3A_11 {offsets = [41, 0], sizes = [1, 2000], strides = [1, 1]} : vector<64x2000xf32> to vector<1x2000xf32>
    %slice3A_218 = vector.extract_strided_slice %dot_general3A_6 {offsets = [1376, 0], sizes = [32, 2000], strides = [1, 1]} : vector<2176x2000xf32> to vector<32x2000xf32>
    %mul3A_219 = vector.broadcast %slice3A_217 : vector<1x2000xf32> to vector<32x2000xf32>
    %mul3A_220 = arith.mulf %mul3A_219, %slice3A_218 : vector<32x2000xf32>
    %add3A_221 = arith.addf %add3A_216, %mul3A_220 : vector<32x2000xf32>
    %slice3A_222 = vector.extract_strided_slice %get3A_11 {offsets = [42, 0], sizes = [1, 2000], strides = [1, 1]} : vector<64x2000xf32> to vector<1x2000xf32>
    %slice3A_223 = vector.extract_strided_slice %dot_general3A_6 {offsets = [1408, 0], sizes = [32, 2000], strides = [1, 1]} : vector<2176x2000xf32> to vector<32x2000xf32>
    %mul3A_224 = vector.broadcast %slice3A_222 : vector<1x2000xf32> to vector<32x2000xf32>
    %mul3A_225 = arith.mulf %mul3A_224, %slice3A_223 : vector<32x2000xf32>
    %add3A_226 = arith.addf %add3A_221, %mul3A_225 : vector<32x2000xf32>
    %slice3A_227 = vector.extract_strided_slice %get3A_11 {offsets = [43, 0], sizes = [1, 2000], strides = [1, 1]} : vector<64x2000xf32> to vector<1x2000xf32>
    %slice3A_228 = vector.extract_strided_slice %dot_general3A_6 {offsets = [1440, 0], sizes = [32, 2000], strides = [1, 1]} : vector<2176x2000xf32> to vector<32x2000xf32>
    %mul3A_229 = vector.broadcast %slice3A_227 : vector<1x2000xf32> to vector<32x2000xf32>
    %mul3A_230 = arith.mulf %mul3A_229, %slice3A_228 : vector<32x2000xf32>
    %add3A_231 = arith.addf %add3A_226, %mul3A_230 : vector<32x2000xf32>
    %slice3A_232 = vector.extract_strided_slice %get3A_11 {offsets = [44, 0], sizes = [1, 2000], strides = [1, 1]} : vector<64x2000xf32> to vector<1x2000xf32>
    %slice3A_233 = vector.extract_strided_slice %dot_general3A_6 {offsets = [1472, 0], sizes = [32, 2000], strides = [1, 1]} : vector<2176x2000xf32> to vector<32x2000xf32>
    %mul3A_234 = vector.broadcast %slice3A_232 : vector<1x2000xf32> to vector<32x2000xf32>
    %mul3A_235 = arith.mulf %mul3A_234, %slice3A_233 : vector<32x2000xf32>
    %add3A_236 = arith.addf %add3A_231, %mul3A_235 : vector<32x2000xf32>
    %slice3A_237 = vector.extract_strided_slice %get3A_11 {offsets = [45, 0], sizes = [1, 2000], strides = [1, 1]} : vector<64x2000xf32> to vector<1x2000xf32>
    %slice3A_238 = vector.extract_strided_slice %dot_general3A_6 {offsets = [1504, 0], sizes = [32, 2000], strides = [1, 1]} : vector<2176x2000xf32> to vector<32x2000xf32>
    %mul3A_239 = vector.broadcast %slice3A_237 : vector<1x2000xf32> to vector<32x2000xf32>
    %mul3A_240 = arith.mulf %mul3A_239, %slice3A_238 : vector<32x2000xf32>
    %add3A_241 = arith.addf %add3A_236, %mul3A_240 : vector<32x2000xf32>
    %slice3A_242 = vector.extract_strided_slice %get3A_11 {offsets = [46, 0], sizes = [1, 2000], strides = [1, 1]} : vector<64x2000xf32> to vector<1x2000xf32>
    %slice3A_243 = vector.extract_strided_slice %dot_general3A_6 {offsets = [1536, 0], sizes = [32, 2000], strides = [1, 1]} : vector<2176x2000xf32> to vector<32x2000xf32>
    %mul3A_244 = vector.broadcast %slice3A_242 : vector<1x2000xf32> to vector<32x2000xf32>
    %mul3A_245 = arith.mulf %mul3A_244, %slice3A_243 : vector<32x2000xf32>
    %add3A_246 = arith.addf %add3A_241, %mul3A_245 : vector<32x2000xf32>
    %slice3A_247 = vector.extract_strided_slice %get3A_11 {offsets = [47, 0], sizes = [1, 2000], strides = [1, 1]} : vector<64x2000xf32> to vector<1x2000xf32>
    %slice3A_248 = vector.extract_strided_slice %dot_general3A_6 {offsets = [1568, 0], sizes = [32, 2000], strides = [1, 1]} : vector<2176x2000xf32> to vector<32x2000xf32>
    %mul3A_249 = vector.broadcast %slice3A_247 : vector<1x2000xf32> to vector<32x2000xf32>
    %mul3A_250 = arith.mulf %mul3A_249, %slice3A_248 : vector<32x2000xf32>
    %add3A_251 = arith.addf %add3A_246, %mul3A_250 : vector<32x2000xf32>
    %slice3A_252 = vector.extract_strided_slice %dot_general3A_6 {offsets = [2144, 0], sizes = [32, 2000], strides = [1, 1]} : vector<2176x2000xf32> to vector<32x2000xf32>
    %slice3A_253 = vector.extract_strided_slice %get3A_11 {offsets = [48, 0], sizes = [1, 2000], strides = [1, 1]} : vector<64x2000xf32> to vector<1x2000xf32>
    %slice3A_254 = vector.extract_strided_slice %dot_general3A_6 {offsets = [1632, 0], sizes = [32, 2000], strides = [1, 1]} : vector<2176x2000xf32> to vector<32x2000xf32>
    %mul3A_255 = vector.broadcast %slice3A_253 : vector<1x2000xf32> to vector<32x2000xf32>
    %mul3A_256 = arith.mulf %mul3A_255, %slice3A_254 : vector<32x2000xf32>
    %add3A_257 = arith.addf %slice3A_252, %mul3A_256 : vector<32x2000xf32>
    %slice3A_258 = vector.extract_strided_slice %get3A_11 {offsets = [49, 0], sizes = [1, 2000], strides = [1, 1]} : vector<64x2000xf32> to vector<1x2000xf32>
    %slice3A_259 = vector.extract_strided_slice %dot_general3A_6 {offsets = [1664, 0], sizes = [32, 2000], strides = [1, 1]} : vector<2176x2000xf32> to vector<32x2000xf32>
    %mul3A_260 = vector.broadcast %slice3A_258 : vector<1x2000xf32> to vector<32x2000xf32>
    %mul3A_261 = arith.mulf %mul3A_260, %slice3A_259 : vector<32x2000xf32>
    %add3A_262 = arith.addf %add3A_257, %mul3A_261 : vector<32x2000xf32>
    %slice3A_263 = vector.extract_strided_slice %get3A_11 {offsets = [50, 0], sizes = [1, 2000], strides = [1, 1]} : vector<64x2000xf32> to vector<1x2000xf32>
    %slice3A_264 = vector.extract_strided_slice %dot_general3A_6 {offsets = [1696, 0], sizes = [32, 2000], strides = [1, 1]} : vector<2176x2000xf32> to vector<32x2000xf32>
    %mul3A_265 = vector.broadcast %slice3A_263 : vector<1x2000xf32> to vector<32x2000xf32>
    %mul3A_266 = arith.mulf %mul3A_265, %slice3A_264 : vector<32x2000xf32>
    %add3A_267 = arith.addf %add3A_262, %mul3A_266 : vector<32x2000xf32>
    %slice3A_268 = vector.extract_strided_slice %get3A_11 {offsets = [51, 0], sizes = [1, 2000], strides = [1, 1]} : vector<64x2000xf32> to vector<1x2000xf32>
    %slice3A_269 = vector.extract_strided_slice %dot_general3A_6 {offsets = [1728, 0], sizes = [32, 2000], strides = [1, 1]} : vector<2176x2000xf32> to vector<32x2000xf32>
    %mul3A_270 = vector.broadcast %slice3A_268 : vector<1x2000xf32> to vector<32x2000xf32>
    %mul3A_271 = arith.mulf %mul3A_270, %slice3A_269 : vector<32x2000xf32>
    %add3A_272 = arith.addf %add3A_267, %mul3A_271 : vector<32x2000xf32>
    %slice3A_273 = vector.extract_strided_slice %get3A_11 {offsets = [52, 0], sizes = [1, 2000], strides = [1, 1]} : vector<64x2000xf32> to vector<1x2000xf32>
    %slice3A_274 = vector.extract_strided_slice %dot_general3A_6 {offsets = [1760, 0], sizes = [32, 2000], strides = [1, 1]} : vector<2176x2000xf32> to vector<32x2000xf32>
    %mul3A_275 = vector.broadcast %slice3A_273 : vector<1x2000xf32> to vector<32x2000xf32>
    %mul3A_276 = arith.mulf %mul3A_275, %slice3A_274 : vector<32x2000xf32>
    %add3A_277 = arith.addf %add3A_272, %mul3A_276 : vector<32x2000xf32>
    %slice3A_278 = vector.extract_strided_slice %get3A_11 {offsets = [53, 0], sizes = [1, 2000], strides = [1, 1]} : vector<64x2000xf32> to vector<1x2000xf32>
    %slice3A_279 = vector.extract_strided_slice %dot_general3A_6 {offsets = [1792, 0], sizes = [32, 2000], strides = [1, 1]} : vector<2176x2000xf32> to vector<32x2000xf32>
    %mul3A_280 = vector.broadcast %slice3A_278 : vector<1x2000xf32> to vector<32x2000xf32>
    %mul3A_281 = arith.mulf %mul3A_280, %slice3A_279 : vector<32x2000xf32>
    %add3A_282 = arith.addf %add3A_277, %mul3A_281 : vector<32x2000xf32>
    %slice3A_283 = vector.extract_strided_slice %get3A_11 {offsets = [54, 0], sizes = [1, 2000], strides = [1, 1]} : vector<64x2000xf32> to vector<1x2000xf32>
    %slice3A_284 = vector.extract_strided_slice %dot_general3A_6 {offsets = [1824, 0], sizes = [32, 2000], strides = [1, 1]} : vector<2176x2000xf32> to vector<32x2000xf32>
    %mul3A_285 = vector.broadcast %slice3A_283 : vector<1x2000xf32> to vector<32x2000xf32>
    %mul3A_286 = arith.mulf %mul3A_285, %slice3A_284 : vector<32x2000xf32>
    %add3A_287 = arith.addf %add3A_282, %mul3A_286 : vector<32x2000xf32>
    %slice3A_288 = vector.extract_strided_slice %get3A_11 {offsets = [55, 0], sizes = [1, 2000], strides = [1, 1]} : vector<64x2000xf32> to vector<1x2000xf32>
    %slice3A_289 = vector.extract_strided_slice %dot_general3A_6 {offsets = [1856, 0], sizes = [32, 2000], strides = [1, 1]} : vector<2176x2000xf32> to vector<32x2000xf32>
    %mul3A_290 = vector.broadcast %slice3A_288 : vector<1x2000xf32> to vector<32x2000xf32>
    %mul3A_291 = arith.mulf %mul3A_290, %slice3A_289 : vector<32x2000xf32>
    %add3A_292 = arith.addf %add3A_287, %mul3A_291 : vector<32x2000xf32>
    %slice3A_293 = vector.extract_strided_slice %get3A_11 {offsets = [56, 0], sizes = [1, 2000], strides = [1, 1]} : vector<64x2000xf32> to vector<1x2000xf32>
    %slice3A_294 = vector.extract_strided_slice %dot_general3A_6 {offsets = [1888, 0], sizes = [32, 2000], strides = [1, 1]} : vector<2176x2000xf32> to vector<32x2000xf32>
    %mul3A_295 = vector.broadcast %slice3A_293 : vector<1x2000xf32> to vector<32x2000xf32>
    %mul3A_296 = arith.mulf %mul3A_295, %slice3A_294 : vector<32x2000xf32>
    %add3A_297 = arith.addf %add3A_292, %mul3A_296 : vector<32x2000xf32>
    %slice3A_298 = vector.extract_strided_slice %get3A_11 {offsets = [57, 0], sizes = [1, 2000], strides = [1, 1]} : vector<64x2000xf32> to vector<1x2000xf32>
    %slice3A_299 = vector.extract_strided_slice %dot_general3A_6 {offsets = [1920, 0], sizes = [32, 2000], strides = [1, 1]} : vector<2176x2000xf32> to vector<32x2000xf32>
    %mul3A_300 = vector.broadcast %slice3A_298 : vector<1x2000xf32> to vector<32x2000xf32>
    %mul3A_301 = arith.mulf %mul3A_300, %slice3A_299 : vector<32x2000xf32>
    %add3A_302 = arith.addf %add3A_297, %mul3A_301 : vector<32x2000xf32>
    %slice3A_303 = vector.extract_strided_slice %get3A_11 {offsets = [58, 0], sizes = [1, 2000], strides = [1, 1]} : vector<64x2000xf32> to vector<1x2000xf32>
    %slice3A_304 = vector.extract_strided_slice %dot_general3A_6 {offsets = [1952, 0], sizes = [32, 2000], strides = [1, 1]} : vector<2176x2000xf32> to vector<32x2000xf32>
    %mul3A_305 = vector.broadcast %slice3A_303 : vector<1x2000xf32> to vector<32x2000xf32>
    %mul3A_306 = arith.mulf %mul3A_305, %slice3A_304 : vector<32x2000xf32>
    %add3A_307 = arith.addf %add3A_302, %mul3A_306 : vector<32x2000xf32>
    %slice3A_308 = vector.extract_strided_slice %get3A_11 {offsets = [59, 0], sizes = [1, 2000], strides = [1, 1]} : vector<64x2000xf32> to vector<1x2000xf32>
    %slice3A_309 = vector.extract_strided_slice %dot_general3A_6 {offsets = [1984, 0], sizes = [32, 2000], strides = [1, 1]} : vector<2176x2000xf32> to vector<32x2000xf32>
    %mul3A_310 = vector.broadcast %slice3A_308 : vector<1x2000xf32> to vector<32x2000xf32>
    %mul3A_311 = arith.mulf %mul3A_310, %slice3A_309 : vector<32x2000xf32>
    %add3A_312 = arith.addf %add3A_307, %mul3A_311 : vector<32x2000xf32>
    %slice3A_313 = vector.extract_strided_slice %get3A_11 {offsets = [60, 0], sizes = [1, 2000], strides = [1, 1]} : vector<64x2000xf32> to vector<1x2000xf32>
    %slice3A_314 = vector.extract_strided_slice %dot_general3A_6 {offsets = [2016, 0], sizes = [32, 2000], strides = [1, 1]} : vector<2176x2000xf32> to vector<32x2000xf32>
    %mul3A_315 = vector.broadcast %slice3A_313 : vector<1x2000xf32> to vector<32x2000xf32>
    %mul3A_316 = arith.mulf %mul3A_315, %slice3A_314 : vector<32x2000xf32>
    %add3A_317 = arith.addf %add3A_312, %mul3A_316 : vector<32x2000xf32>
    %slice3A_318 = vector.extract_strided_slice %get3A_11 {offsets = [61, 0], sizes = [1, 2000], strides = [1, 1]} : vector<64x2000xf32> to vector<1x2000xf32>
    %slice3A_319 = vector.extract_strided_slice %dot_general3A_6 {offsets = [2048, 0], sizes = [32, 2000], strides = [1, 1]} : vector<2176x2000xf32> to vector<32x2000xf32>
    %mul3A_320 = vector.broadcast %slice3A_318 : vector<1x2000xf32> to vector<32x2000xf32>
    %mul3A_321 = arith.mulf %mul3A_320, %slice3A_319 : vector<32x2000xf32>
    %add3A_322 = arith.addf %add3A_317, %mul3A_321 : vector<32x2000xf32>
    %slice3A_323 = vector.extract_strided_slice %get3A_11 {offsets = [62, 0], sizes = [1, 2000], strides = [1, 1]} : vector<64x2000xf32> to vector<1x2000xf32>
    %slice3A_324 = vector.extract_strided_slice %dot_general3A_6 {offsets = [2080, 0], sizes = [32, 2000], strides = [1, 1]} : vector<2176x2000xf32> to vector<32x2000xf32>
    %mul3A_325 = vector.broadcast %slice3A_323 : vector<1x2000xf32> to vector<32x2000xf32>
    %mul3A_326 = arith.mulf %mul3A_325, %slice3A_324 : vector<32x2000xf32>
    %add3A_327 = arith.addf %add3A_322, %mul3A_326 : vector<32x2000xf32>
    %slice3A_328 = vector.extract_strided_slice %get3A_11 {offsets = [63, 0], sizes = [1, 2000], strides = [1, 1]} : vector<64x2000xf32> to vector<1x2000xf32>
    %slice3A_329 = vector.extract_strided_slice %dot_general3A_6 {offsets = [2112, 0], sizes = [32, 2000], strides = [1, 1]} : vector<2176x2000xf32> to vector<32x2000xf32>
    %mul3A_330 = vector.broadcast %slice3A_328 : vector<1x2000xf32> to vector<32x2000xf32>
    %mul3A_331 = arith.mulf %mul3A_330, %slice3A_329 : vector<32x2000xf32>
    %add3A_332 = arith.addf %add3A_327, %mul3A_331 : vector<32x2000xf32>
    %concatenate3A = tpu.concatenate %add3A_89, %add3A_170, %add3A_251, %add3A_332 in 0 : vector<32x2000xf32>, vector<32x2000xf32>, vector<32x2000xf32>, vector<32x2000xf32> -> vector<128x2000xf32>
    %transpose3A_333 = tpu.transpose %concatenate3A, [1, 0] : vector<128x2000xf32> -> vector<2000x128xf32>
    %swap3A = arith.constant 0 : index
    %swap3A_334 = arith.constant 0 : index
    %swap3A_335 = vector.load %arg4[%swap3A, %swap3A_334] : memref<2000x128xf32, #tpu.memory_space<vmem>>, vector<2000x128xf32>
    tpu.vector_store %arg4[%swap3A, %swap3A_334], %transpose3A_333 {strides = array<i32>} : memref<2000x128xf32, #tpu.memory_space<vmem>>, vector<2000x128xf32>,
    return
  }
  func.func @transform_0(%arg0: i32) -> (i32, i32) {
    %c0_i32 = arith.constant 0 : i32
    %c0_i32_0 = arith.constant 0 : i32
    return %arg0, %c0_i32 : i32, i32
  }
  func.func @transform_1(%arg0: i32) -> (i32, i32, i32) {
    %c0_i32 = arith.constant 0 : i32
    %c0_i32_0 = arith.constant 0 : i32
    %c0_i32_1 = arith.constant 0 : i32
    return %arg0, %c0_i32, %c0_i32_0 : i32, i32, i32
  }
  func.func @transform_2(%arg0: i32) -> (i32, i32) {
    %c0_i32 = arith.constant 0 : i32
    %c0_i32_0 = arith.constant 0 : i32
    %c0_i32_1 = arith.constant 0 : i32
    return %c0_i32, %c0_i32_0 : i32, i32
  }
  func.func @transform_3(%arg0: i32) -> (i32, i32) {
    %c0_i32 = arith.constant 0 : i32
    %c0_i32_0 = arith.constant 0 : i32
    return %arg0, %c0_i32 : i32, i32
  }
}

module attributes {stable_mosaic.version = 14 : i64} {
  func.func @_tc_add_body(%arg0: i32, %arg1: memref<2x2500x128xf32, #tpu.memory_space<vmem>>, %arg2: memref<2500x128xf32, #tpu.memory_space<vmem>>) attributes {dimension_semantics = [#tpu.dimension_semantics<arbitrary>], iteration_bounds = array<i64: 1>, scalar_prefetch = 0 : i64, scratch_operands = 0 : i64, tpu.core_type = #tpu.core_type<tc>, window_params = [{pipeline_mode = #tpu.pipeline_mode<synchronous>, transform_indices = @transform_0, window_bounds = array<i64: 2, 2500, 128>}, {pipeline_mode = #tpu.pipeline_mode<synchronous>, transform_indices = @transform_1, window_bounds = array<i64: 2500, 128>}]} {
    %get3A = arith.constant 0 : index
    %get3A_0 = arith.constant 0 : index
    %get3A_1 = arith.constant 0 : index
    %get3A_2 = vector.load %arg1[%get3A, %get3A_0, %get3A_1] : memref<2x2500x128xf32, #tpu.memory_space<vmem>>, vector<1x2500x128xf32>
    %get3A_3 = vector.shape_cast %get3A_2 : vector<1x2500x128xf32> to vector<2500x128xf32>
    %get3A_4 = arith.constant 1 : index
    %get3A_5 = arith.constant 0 : index
    %get3A_6 = arith.constant 0 : index
    %get3A_7 = vector.load %arg1[%get3A_4, %get3A_5, %get3A_6] : memref<2x2500x128xf32, #tpu.memory_space<vmem>>, vector<1x2500x128xf32>
    %get3A_8 = vector.shape_cast %get3A_7 : vector<1x2500x128xf32> to vector<2500x128xf32>
    %add3A = arith.addf %get3A_3, %get3A_8 : vector<2500x128xf32>
    %swap3A = arith.constant 0 : index
    %swap3A_9 = arith.constant 0 : index
    %swap3A_10 = vector.load %arg2[%swap3A, %swap3A_9] : memref<2500x128xf32, #tpu.memory_space<vmem>>, vector<2500x128xf32>
    tpu.vector_store %arg2[%swap3A, %swap3A_9], %add3A {strides = array<i32>} : memref<2500x128xf32, #tpu.memory_space<vmem>>, vector<2500x128xf32>,
    return
  }
  func.func @transform_0(%arg0: i32) -> (i32, i32, i32) {
    %c0_i32 = arith.constant 0 : i32
    %c0_i32_0 = arith.constant 0 : i32
    %c0_i32_1 = arith.constant 0 : i32
    %c0_i32_2 = arith.constant 0 : i32
    return %c0_i32, %c0_i32_0, %c0_i32_1 : i32, i32, i32
  }
  func.func @transform_1(%arg0: i32) -> (i32, i32) {
    %c0_i32 = arith.constant 0 : i32
    %c0_i32_0 = arith.constant 0 : i32
    %c0_i32_1 = arith.constant 0 : i32
    return %c0_i32, %c0_i32_0 : i32, i32
  }
}

</mosaic_0001>

<sc_bundles>
// kernel: kernel.10.cloned.1.call-start
scs
__scs_entry_jumppad:
0x0: {  	(pc) =	sbr.rel $0x88, $3  }
0x1: {  	(tag) =	ssettag $0x0;
	lr =	simm.s32 $0x1  }
0x2: {  	[smem:$0x3F9C] =	sst lr;
	_ =	strace $0xD0000000  }
0x3: {  	_ = 	snop  }
0x4: {  	_ = 	snop  }
0x5: {  	_ = 	snop  }
0x6: {  	_ = 	snop  }
0x7: {  	_ = 	snop  }
__scs_overlays_trampoline_lowered:
0x8: {  	[smem:$0x3FAB] =	sst s0  }
0x9: {  	[smem:$0x3FAC] =	sst s1  }
0xa: {  	[smem:$0x3FAD] =	sst s2  }
0xb: {  	[smem:$0x3FAE] =	sst s3  }
0xc: {  	[smem:$0x3FAF] =	sst s4  }
0xd: {  	[smem:$0x3FB0] =	sst s5  }
0xe: {  	[smem:$0x3FB1] =	sst s6  }
0xf: {  	[smem:$0x3FB2] =	sst s7  }
0x10: {  	[smem:$0x3FB3] =	sst s8  }
0x11: {  	[smem:$0x3FB4] =	sst s9;
	s0 =	simm.s32 @!p0 $0x0  }
0x12: {  	s1 =	sld [smem:$0x3F9A];
	s0 =	simm.s32 @p0 $0x1  }
0x13: {  	[smem:$0x3FB5] =	sst s0;
	s0 =	simm.s32 @!p1 $0x0  }
0x14: {  	s2 =	sld [smem:$0x3F99];
	s0 =	simm.s32 @p1 $0x1  }
0x15: {  	[smem:$0x3FB6] =	sst s0;
	s0 =	simm.s32 @!p2 $0x0  }
0x16: {  	s3 =	sld [smem:$0x3FDB];
	s0 =	simm.s32 @p2 $0x1  }
0x17: {  	s4 =	simm.s32 $0x1BF5;
	[smem:$0x3FB8] =	sst s0  }
0x18: {  	s0 =	sld [smem:$0x3F9B];
	_ =	swait.ge [sflag:s4], $0x0  }
0x19: {  	s7 =	sld [smem:$0x3F9C]  }
0x1a: {  	s8 =	sadd.s32 $0xFFFFE003, lr  }
0x1b: {  	s9 =	sadd.s32 $0xFFFFFEF7, lr;
	s5 =	simm.s32 $0xFFFFFFFF;
	p2 =	slt.u32 s8, $0xFFFFF086  }
0x1c: {  	p1 =	slt.u32 s9, $0xF7A;
	s5 =	simm.s32 @!p2 $0x0  }
0x1d: {  	s5 =	simm.s32 @p1 $0x1;
	p0 =	seq.s32 s7, s2  }
0x1e: {  	s7 =	smul.u32 @!p0 $0xF7A, s2;
	p2 =	seq.s32 @!p0 s5, $0x0  }
0x1f: {  	s9 =	smul.u32 $0xF7A, s1;
	s8 =	simm.s32 @!p0 $0x1BF5;
	p2 =	por !p2, p0  }
0x20: {  	[sflag:s8] =	ssyncset.s32 @!p0 $0xFFFFF086;
	s6 =	sadd.s32 @!p0 s3, s7;
	s7 =	simm.s32 @!p0 $0x108  }
0x21: {  	s3 =	sadd.s32 s3, s9;
	s6 =	sadd.s32 @!p0 $0x88, s6;
	s7 =	simm.s32 @p2 $0x1082  }
0x22: {  	[simem:s7], [sflag:s8] =	dma.local @!p0 [hbm:s6], $0xF7A  }
0x23: {  	s9 =	sor.u32 $0xD0000000, s2;
	s6 =	simm.s32 $0x108;
	_ =	swait.ge @!p0 [sflag:s8], $0x0  }
0x24: {  	s3 =	sadd.s32 $0x88, s3;
	s6 =	simm.s32 @!p1 $0x1082;
	[sflag:s4] =	ssyncset.s32 $0xFFFFF086  }
0x25: {  	[simem:s6], [sflag:s4] =	dma.local [hbm:s3], $0xF7A  }
0x26: {  	[smem:$0x3F9C] =	sst s1;
	(tag) =	ssettag s2;
	_ =	strace s9  }
0x27: {  	s1 =	sld [smem:$0x3FAC]  }
0x28: {  	s2 =	sld [smem:$0x3FAD]  }
0x29: {  	s4 =	sld [smem:$0x3FAF]  }
0x2a: {  	p0 =	seq.s32 s5, $0x0;
	s5 =	sld [smem:$0x3FB0]  }
0x2b: {  	s6 =	sld [smem:$0x3FB1]  }
0x2c: {  	s7 =	sld [smem:$0x3FB2]  }
0x2d: {  	s3 =	simm.s32 $0x108;
	s8 =	sld [smem:$0x3FB3]  }
0x2e: {  	s3 =	simm.s32 @!p0 $0x1082;
	s9 =	sld [smem:$0x3FB4]  }
0x2f: {  	lr =	sadd.s32 s0, s3;
	s0 =	sld [smem:$0x3FAB]  }
0x30: {  	s3 =	sld [smem:$0x3FAE]  }
0x31: {  	[smem:$0x3FB7] =	sst s10  }
0x32: {  	s10 =	sld [smem:$0x3FB5];
	_ =	sdelay $0x3  }
0x33: {  	p0 =	seq.s32 s10, $0x1;
	s10 =	sld [smem:$0x3FB7];
	_ =	sdelay $0x3  }
0x34: {  	[smem:$0x3FB7] =	sst s10  }
0x35: {  	s10 =	sld [smem:$0x3FB6];
	_ =	sdelay $0x3  }
0x36: {  	p1 =	seq.s32 s10, $0x1;
	s10 =	sld [smem:$0x3FB7];
	_ =	sdelay $0x3  }
0x37: {  	[smem:$0x3FB7] =	sst s10  }
0x38: {  	s10 =	sld [smem:$0x3FB8]  }
0x39: {  	_ = 	snop;
	(pc) =	sbr.ind lr, $3  }
0x3a: {  	_ = 	snop  }
0x3b: {  	_ = 	snop  }
0x3c: {  	p2 =	seq.s32 s10, $0x1;
	s10 =	sld [smem:$0x3FB7]  }
0x3d: {  	_ =	shalt  }
0x3e: {  	_ =	shalt  }
0x3f: {  	_ =	shalt  }
0x40: {  	_ =	shalt  }
0x41: {  	_ =	shalt  }
0x42: {  	_ =	shalt  }
0x43: {  	_ =	shalt  }
0x44: {  	_ =	shalt  }
0x45: {  	_ =	shalt  }
0x46: {  	_ =	shalt  }
0x47: {  	_ =	shalt  }
0x48: {  	_ =	shalt  }
0x49: {  	_ =	shalt  }
0x4a: {  	_ =	shalt  }
0x4b: {  	_ =	shalt  }
0x4c: {  	_ =	shalt  }
0x4d: {  	_ =	shalt  }
0x4e: {  	_ =	shalt  }
0x4f: {  	_ =	shalt  }
0x50: {  	_ =	shalt  }
0x51: {  	_ =	shalt  }
0x52: {  	_ =	shalt  }
0x53: {  	_ =	shalt  }
0x54: {  	_ =	shalt  }
0x55: {  	_ =	shalt  }
0x56: {  	_ =	shalt  }
0x57: {  	_ =	shalt  }
0x58: {  	_ =	shalt  }
0x59: {  	_ =	shalt  }
0x5a: {  	_ =	shalt  }
0x5b: {  	_ =	shalt  }
0x5c: {  	_ =	shalt  }
0x5d: {  	_ =	shalt  }
0x5e: {  	_ =	shalt  }
0x5f: {  	_ =	shalt  }
0x60: {  	_ =	shalt  }
0x61: {  	_ =	shalt  }
0x62: {  	_ =	shalt  }
0x63: {  	_ =	shalt  }
0x64: {  	_ =	shalt  }
0x65: {  	_ =	shalt  }
0x66: {  	_ =	shalt  }
0x67: {  	_ =	shalt  }
0x68: {  	_ =	shalt  }
0x69: {  	_ =	shalt  }
0x6a: {  	_ =	shalt  }
0x6b: {  	_ =	shalt  }
0x6c: {  	_ =	shalt  }
0x6d: {  	_ =	shalt  }
0x6e: {  	_ =	shalt  }
0x6f: {  	_ =	shalt  }
0x70: {  	_ =	shalt  }
0x71: {  	_ =	shalt  }
0x72: {  	_ =	shalt  }
0x73: {  	_ =	shalt  }
0x74: {  	_ =	shalt  }
0x75: {  	_ =	shalt  }
0x76: {  	_ =	shalt  }
0x77: {  	_ =	shalt  }
0x78: {  	_ =	shalt  }
0x79: {  	_ =	shalt  }
0x7a: {  	_ =	shalt  }
0x7b: {  	_ =	shalt  }
0x7c: {  	_ =	shalt  }
0x7d: {  	_ =	shalt  }
0x7e: {  	_ =	shalt  }
0x7f: {  	_ =	shalt  }
0x80: {  	_ =	shalt  }
0x81: {  	_ =	shalt  }
0x82: {  	_ =	shalt  }
0x83: {  	_ =	shalt  }
0x84: {  	_ =	shalt  }
0x85: {  	_ =	shalt  }
0x86: {  	_ =	shalt  }
0x87: {  	_ =	shalt  }
.Lfunc_end0:
.L_simem_size_0:
called_computation.1_lowered:
.L_overlay_start_0:
0x88: {  	s2 =	sld [smem:$0x3FD9]  }
0x89: {  	s3 =	sld [smem:$0x3FFE];
	_ =	sdelay $0x1  }
0x8a: {  	s1 =	srdreg.scid  }
0x8b: {  	s0 =	sand.u32 $0x1, s1  }
0x8c: {  	s17 =	sshll.u32 s0, $0xA;
	s2 =	sadd.s32 s3, s2  }
0x8d: {  	s2 =	sadd.s32 s2, s17  }
0x8e: {  	[smem:$0x3FC3] =	sst s2  }
0x8f: {  	_ = 	snop  }
0x90: {  	s2 =	sld [smem:$0x3FD0];
	(tm) =	ssettm $0x1  }
0x91: {  	s18 =	sld [smem:$0x3FFB];
	_ =	sdelay $0x3  }
0x92: {  	_ =	strace s18  }
0x93: {  	s3 =	sld [smem:$0x3FFC];
	_ =	sdelay $0x3  }
0x94: {  	_ =	strace s3  }
0x95: {  	s3 =	sld [smem:$0x3FFD];
	_ =	sdelay $0x3  }
0x96: {  	_ =	strace s3  }
0x97: {  	_ =	strace $0x8FFFFFFF  }
0x98: {  	s19 =	sld [smem:$0x3FDB];
	_ =	sdelay $0x1  }
0x99: {  	s4 =	simm.s32 $_scs_section_size  }
0x9a: {  	s5 =	simm.s32 $_size__tile_overlayer_lowered;
	s6 =	simm.s32 $_tile_overlayer_lowered  }
0x9b: {  	s22 =	simm.s32 $0x1BFF;
	s21 =	sshll.u32 s6, $0x1;
	s3 =	sadd.s32 s4, s19  }
0x9c: {  	s7 =	simm.s32 $0x0;
	s20 =	sshll.u32 s5, $0x1;
	s5 =	sadd.s32 s21, s3  }
0x9d: {  	[timem:s7], [sflag:s22] =	dma.local [hbm:s5], s20  }
0x9e: {  	_ =	swait.ge [sflag:s22], s20  }
0x9f: {  	s4 =	ssub.s32 $0x0, s20;
	[sflag:s22] =	ssyncset.done $0x0  }
0xa0: {  	[sflag:s22] =	ssyncadd.s32 s4;
	_ =	sdelay $0x1  }
0xa1: {  	s23 =	simm.s32 $0x1B8B  }
0xa2: {  	_ =	swait.ge [sflag:s23], $0x1  }
0xa3: {  	[sflag:s23] =	ssyncset.done $0x0  }
0xa4: {  	s25 =	simm.s32 $0x1B8E;
	s24 =	sld [smem:$0x3FFE];
	[sflag:s23] =	ssyncadd.s32 $0xFFFFFFFF  }
0xa5: {  	s26 =	simm.s32 $execute0_lowered;
	[smem:$0x3FD2] =	sst s25  }
0xa6: {  	s5 =	sshll.u32 s26, $0x1;
	_ =	strace $0x80000049;
	[dreg:$0x1] =	wrdreg $0xFFFFFFFF  }
0xa7: {  	s28 =	simm.s32 $_size_execute0_lowered;
	s3 =	sadd.s32 s3, s5;
	[dreg:$0x0] =	wrdreg $0x0  }
0xa8: {  	s5 =	sshll.u32 s28, $0x1;
	[dreg:$0x2] =	wrdreg s3  }
0xa9: {  	[dreg:$0x3] =	wrdreg s5  }
0xaa: {  	[dreg:$0x4] =	wrdreg $0xC0  }
0xab: {  	_ =	task [dreg:s7], $0x5FFFF  }
0xac: {  	[dreg:$0x1] =	wrdreg $0xFFFFFFFF  }
0xad: {  	[dreg:$0x0] =	wrdreg $0x60  }
0xae: {  	[dreg:$0x2] =	wrdreg s24  }
0xaf: {  	[dreg:$0x3] =	wrdreg s2  }
0xb0: {  	[dreg:$0x4] =	wrdreg $0x10D880  }
0xb1: {  	[dreg:$0x5] =	wrdreg $0x9  }
0xb2: {  	_ =	task.clear_ibuf [dreg:s7], $0x6FFFF;
	_ =	strace $0x90000049  }
0xb3: {  	s29 =	simm.s32 $0x9;
	_ =	strace $0x8000004B  }
0xb4: {  	_ =	swait.ge [sflag:s29], $0x1  }
0xb5: {  	[sflag:s29] =	ssyncadd.s32 $0xFFFFFFFF  }
0xb6: {  	_ =	strace $0x9000004B  }
0xb7: {  	_ =	sfence  }
0xb8: {  	s30 =	sld [smem:$0x0];
	_ =	sdelay $0x2  }
0xb9: {  	s31 =	sshll.u32 s1, $0xD;
	s1 =	sshrl.u32 s1, $0x2  }
0xba: {  	s3 =	sand.u32 $0x4000, s31;
	s1 =	sadd.s32 s1, s30  }
0xbb: {  	s0 =	sor.u32 s3, s0;
	s1 =	sshll.u32 s1, $0x11  }
0xbc: {  	s0 =	sor.u32 s1, s0  }
0xbd: {  	s0 =	sadd.s32 $0x8F2B, s0  }
0xbe: {  	[sflag:s0] =	ssyncadd.remote.s32 $0x1  }
0xbf: {  	_ =	sfence.sel $0xFFFF  }
0xc0: {  	[dreg:$0x0] =	wrdreg $0xFFFFFFFF;
	(pc) =	sbr.abs _section_cstart, $3  }
0xc1: {  	[dreg:$0x1] =	wrdreg $0xFFFFFFFF  }
0xc2: {  	_ =	task.clear_ibuf [dreg:s7], $0x2FFFF;
	_ =	strace $0x9FFFFFFF  }
0xc3: {  	(tm) =	ssettm $0x7FFFFFFF  }
tec
execute0_lowered:
.L_overlay_start_1:
0x0: {  	(tag) =	ssettag $0x1  }
0x1: {  	s26 =	rddreg [dreg:$0x0]  }
0x2: {  	s4 =	rddreg [dreg:$0x1]  }
0x3: {  	s2 =	rddreg [dreg:$0x2];
	s3 =	srdreg.scid  }
0x4: {  	s0 =	rddreg [dreg:$0x3];
	s1 =	stileid.u32  }
0x5: {  	s28 =	sand.u32 $0x1, s3;
	s3 =	simm.s32 $0x0;
	s29 =	smul.u32 $0x4E20, s1  }
0x6: {  	s30 =	sshll.u32 s1, $0x6;
	s5 =	sshll.u32 s28, $0x4;
	[smem:$0x7FF] =	sst s3  }
0x7: {  	s17 =	sor.u32 s1, s5;
	_ =	strace $0x8000004A;
	s25 =	sshrl.u32 s29, $0x3  }
0x8: {  	s6 =	sadd.s32 s29, s2;
	s5 =	sor.u32 $0x1C03, s30;
	s15 =	smul.u32 $0x1388, s17  }
0x9: {  	s4 =	sadd.s32 s4, s25;
	s7 =	sshrl.u32 s6, $0x3;
	s6 =	simm.s32 $0x3  }
0xa: {  	[spmem:s7], [sflag:s5] =	dma.local [hbm:s4], $0x9C4  }
0xb: {  	_ =	swait.ge [sflag:s6], $0x9C4  }
0xc: {  	s16 =	sadd.s32 $0x1A00, s26;
	s8 =	sshrl.u32 s15, $0x3;
	[sflag:s6] =	ssyncset.done $0x0  }
0xd: {  	s8 =	sadd.s32 s16, s8;
	[sflag:s6] =	ssyncadd.s32 $0xFFFFF63C  }
0xe: {  	[tilespmem:s3], [sflag:$0x3] =	stream.linear.gather [hbm4b:s8+s3], $0x3E8, $0x38;
	[tilespmem:$0x15BA8] =	vst v63  }
0xf: {  	s18 =	sadd.s32 $0x3E8, s15;
	_ =	swait.ge [sflag:s6], $0x3E8  }
0x10: {  	s9 =	sshrl.u32 s18, $0x3;
	[sflag:s6] =	ssyncset.done $0x0  }
0x11: {  	s10 =	simm.s32 $0x3E8;
	s9 =	sadd.s32 s16, s9;
	[sflag:s6] =	ssyncadd.s32 $0xFFFFFC18  }
0x12: {  	[tilespmem:s10], [sflag:$0x3] =	stream.linear.gather [hbm4b:s9+s3], $0x3E8, $0x38;
	[tilespmem:$0x15BA8] =	vst v63  }
0x13: {  	s22 =	sadd.s32 $0x7D0, s15;
	_ =	swait.ge [sflag:s6], $0x3E8  }
0x14: {  	s11 =	sshrl.u32 s22, $0x3;
	[sflag:s6] =	ssyncset.done $0x0  }
0x15: {  	s12 =	simm.s32 $0x7D0;
	s11 =	sadd.s32 s16, s11;
	[sflag:s6] =	ssyncadd.s32 $0xFFFFFC18  }
0x16: {  	[tilespmem:s12], [sflag:$0x3] =	stream.linear.gather [hbm4b:s11+s3], $0x3E8, $0x38;
	[tilespmem:$0x15BA8] =	vst v63  }
0x17: {  	s24 =	sadd.s32 $0xBB8, s15;
	_ =	swait.ge [sflag:s6], $0x3E8  }
0x18: {  	s13 =	sshrl.u32 s24, $0x3;
	[sflag:s6] =	ssyncset.done $0x0  }
0x19: {  	s14 =	simm.s32 $0xBB8;
	s13 =	sadd.s32 s16, s13;
	[sflag:s6] =	ssyncadd.s32 $0xFFFFFC18  }
0x1a: {  	[tilespmem:s14], [sflag:$0x3] =	stream.linear.gather [hbm4b:s13+s3], $0x3E8, $0x38;
	[tilespmem:$0x15BA8] =	vst v63  }
0x1b: {  	s25 =	sadd.s32 $0xFA0, s15;
	_ =	swait.ge [sflag:s6], $0x3E8  }
0x1c: {  	s15 =	sshrl.u32 s25, $0x3;
	[sflag:s6] =	ssyncset.done $0x0  }
0x1d: {  	s15 =	sadd.s32 s16, s15;
	s16 =	simm.s32 $0xFA0;
	[sflag:s6] =	ssyncadd.s32 $0xFFFFFC18  }
0x1e: {  	[tilespmem:s16], [sflag:$0x3] =	stream.linear.gather [hbm4b:s15+s3], $0x3E8, $0x38;
	[tilespmem:$0x15BA8] =	vst v63  }
0x1f: {  	s17 =	smul.u32 $0x4E20, s17;
	_ =	swait.ge [sflag:s6], $0x3E8  }
0x20: {  	s30 =	sadd.s32 $0xA7C00, s26;
	[sflag:s6] =	ssyncset.done $0x0  }
0x21: {  	s17 =	sadd.s32 s30, s17;
	[sflag:s6] =	ssyncadd.s32 $0xFFFFFC18  }
0x22: {  	s19 =	sshll.u32 s18, $0x2;
	s18 =	simm.s32 $0x1388;
	[bflag:$0x0] =	sbarrier.arrive $0xFFFF  }
0x23: {  	[tilespmem:s18], [sflag:$0x1] =	stream.linear.gather [hbm4b:s17+s3], $0x7D00, $0x38;
	[tilespmem:$0x15BA8] =	vst v63  }
0x24: {  	s20 =	simm.s32 $0x9088;
	s21 =	simm.s32 $0x1;
	s19 =	sadd.s32 s30, s19  }
0x25: {  	[tilespmem:s20], [sflag:$0x2] =	stream.linear.gather [hbm4b:s19+s3], $0x7D00, $0x38;
	[tilespmem:$0x15BA8] =	vst v63  }
0x26: {  	_ =	swait.ge [sflag:s21], $0x7D00  }
0x27: {  	[sflag:s21] =	ssyncset.done $0x0  }
0x28: {  	[sflag:s21] =	ssyncadd.s32 $0xFFFF8300  }
0x29: {  	[spmem:s2] =	stream.indirect.scatter.add.f32 [tilespmem:s18], [sflag:$0x3], $0x20, s3, s10, $0xb8;
	[tilespmem:$0x15BA8] =	vst v63  }
0x2a: {  	_ =	swait.ge [sflag:s6], $0x7D00  }
0x2b: {  	s22 =	sshll.u32 s22, $0x2;
	[sflag:s6] =	ssyncset.done $0x0  }
0x2c: {  	s23 =	simm.s32 $0x2;
	s22 =	sadd.s32 s30, s22;
	[sflag:s6] =	ssyncadd.s32 $0xFFFF8300  }
0x2d: {  	[tilespmem:s18], [sflag:$0x1] =	stream.linear.gather [hbm4b:s22+s3], $0x7D00, $0x38;
	[tilespmem:$0x15BA8] =	vst v63  }
0x2e: {  	_ =	swait.ge [sflag:s23], $0x7D00  }
0x2f: {  	[sflag:s23] =	ssyncset.done $0x0  }
0x30: {  	[sflag:s23] =	ssyncadd.s32 $0xFFFF8300  }
0x31: {  	[spmem:s2] =	stream.indirect.scatter.add.f32 [tilespmem:s20], [sflag:$0x3], $0x20, s10, s10, $0xb8;
	[tilespmem:$0x15BA8] =	vst v63  }
0x32: {  	_ =	swait.ge [sflag:s6], $0x7D00  }
0x33: {  	s24 =	sshll.u32 s24, $0x2;
	[sflag:s6] =	ssyncset.done $0x0  }
0x34: {  	s24 =	sadd.s32 s30, s24;
	[sflag:s6] =	ssyncadd.s32 $0xFFFF8300  }
0x35: {  	[tilespmem:s20], [sflag:$0x2] =	stream.linear.gather [hbm4b:s24+s3], $0x7D00, $0x38;
	[tilespmem:$0x15BA8] =	vst v63  }
0x36: {  	_ =	swait.ge [sflag:s21], $0x7D00  }
0x37: {  	[sflag:s21] =	ssyncset.done $0x0  }
0x38: {  	[sflag:s21] =	ssyncadd.s32 $0xFFFF8300  }
0x39: {  	[spmem:s2] =	stream.indirect.scatter.add.f32 [tilespmem:s18], [sflag:$0x3], $0x20, s12, s10, $0xb8;
	[tilespmem:$0x15BA8] =	vst v63  }
0x3a: {  	_ =	swait.ge [sflag:s6], $0x7D00  }
0x3b: {  	s25 =	sshll.u32 s25, $0x2;
	[sflag:s6] =	ssyncset.done $0x0  }
0x3c: {  	s25 =	sadd.s32 s30, s25;
	[sflag:s6] =	ssyncadd.s32 $0xFFFF8300  }
0x3d: {  	[tilespmem:s18], [sflag:$0x1] =	stream.linear.gather [hbm4b:s25+s3], $0x7D00, $0x38;
	[tilespmem:$0x15BA8] =	vst v63  }
0x3e: {  	_ =	swait.ge [sflag:s23], $0x7D00  }
0x3f: {  	[sflag:s23] =	ssyncset.done $0x0  }
0x40: {  	[sflag:s23] =	ssyncadd.s32 $0xFFFF8300  }
0x41: {  	[spmem:s2] =	stream.indirect.scatter.add.f32 [tilespmem:s20], [sflag:$0x3], $0x20, s14, s10, $0xb8;
	[tilespmem:$0x15BA8] =	vst v63  }
0x42: {  	_ =	swait.ge [sflag:s6], $0x7D00  }
0x43: {  	[sflag:s6] =	ssyncset.done $0x0  }
0x44: {  	s31 =	smul.u32 $0x4E200, s28;
	[sflag:s6] =	ssyncadd.s32 $0xFFFF8300  }
0x45: {  	s28 =	ssub.s32 $0x2, s28;
	_ =	swait.ge [sflag:s21], $0x7D00  }
0x46: {  	s29 =	sadd.s32 s29, s31;
	s31 =	sshrl.u32 s28, $0x1;
	[sflag:s21] =	ssyncset.done $0x0  }
0x47: {  	s28 =	ssub.s32 s28, s31;
	[sflag:s21] =	ssyncadd.s32 $0xFFFF8300  }
0x48: {  	[spmem:s2] =	stream.indirect.scatter.add.f32 [tilespmem:s18], [sflag:$0x3], $0x20, s16, s10, $0xb8;
	[tilespmem:$0x15BA8] =	vst v63  }
0x49: {  	s28 =	smax.u32 s28, $0x1;
	_ =	swait.ge [sflag:s6], $0x7D00  }
0x4a: {  	s29 =	sshrl.u32 s29, $0x3;
	p0 =	sne.s32 s28, $0x1;
	[sflag:s6] =	ssyncset.done $0x0  }
.Ltmp0:
0x4b: {  	s26 =	sadd.s32 s29, s26;
	[sflag:s6] =	ssyncadd.s32 $0xFFFF8300;
	(pc) =	sbr.rel @!p0 .LBB2_2-.Ltmp0, $4  }
0x4c: {  	s26 =	sadd.s32 $0xB800, s26;
	[bflag:$0x0] =	sbarrier.arrive $0xFFFF  }
0x4d: {  	[hbm:s26], [sflag:s5] =	dma.local [spmem:s7], $0x9C4  }
0x4e: {  	_ =	swait.ge [sflag:s6], $0x9C4  }
0x4f: {  	s28 =	sadd.s32 $0xFFFFFFFF, s28;
	[sflag:s6] =	ssyncset.done $0x0  }
.LBB2_1:
0x50: {  	p0 =	sne.s32 s28, $0x1;
	s28 =	sadd.s32 $0xFFFFFFFF, s28;
	[sflag:s6] =	ssyncadd.s32 $0xFFFFF63C  }
0x51: {  	[spmem:s7], [sflag:s5] =	dma.local [hbm:s4], $0x9C4  }
0x52: {  	_ =	swait.ge [sflag:s6], $0x9C4  }
0x53: {  	[sflag:s6] =	ssyncset.done $0x0  }
0x54: {  	[sflag:s6] =	ssyncadd.s32 $0xFFFFF63C  }
0x55: {  	[tilespmem:s3], [sflag:$0x3] =	stream.linear.gather [hbm4b:s8+s3], $0x3E8, $0x38;
	[tilespmem:$0x15BA8] =	vst v63  }
0x56: {  	_ =	swait.ge [sflag:s6], $0x3E8  }
0x57: {  	[sflag:s6] =	ssyncset.done $0x0  }
0x58: {  	[sflag:s6] =	ssyncadd.s32 $0xFFFFFC18  }
0x59: {  	[tilespmem:s10], [sflag:$0x3] =	stream.linear.gather [hbm4b:s9+s3], $0x3E8, $0x38;
	[tilespmem:$0x15BA8] =	vst v63  }
0x5a: {  	_ =	swait.ge [sflag:s6], $0x3E8  }
0x5b: {  	[sflag:s6] =	ssyncset.done $0x0  }
0x5c: {  	[sflag:s6] =	ssyncadd.s32 $0xFFFFFC18  }
0x5d: {  	[tilespmem:s12], [sflag:$0x3] =	stream.linear.gather [hbm4b:s11+s3], $0x3E8, $0x38;
	[tilespmem:$0x15BA8] =	vst v63  }
0x5e: {  	_ =	swait.ge [sflag:s6], $0x3E8  }
0x5f: {  	[sflag:s6] =	ssyncset.done $0x0  }
0x60: {  	[sflag:s6] =	ssyncadd.s32 $0xFFFFFC18  }
0x61: {  	[tilespmem:s14], [sflag:$0x3] =	stream.linear.gather [hbm4b:s13+s3], $0x3E8, $0x38;
	[tilespmem:$0x15BA8] =	vst v63  }
0x62: {  	_ =	swait.ge [sflag:s6], $0x3E8  }
0x63: {  	[sflag:s6] =	ssyncset.done $0x0  }
0x64: {  	[sflag:s6] =	ssyncadd.s32 $0xFFFFFC18  }
0x65: {  	[tilespmem:s16], [sflag:$0x3] =	stream.linear.gather [hbm4b:s15+s3], $0x3E8, $0x38;
	[tilespmem:$0x15BA8] =	vst v63  }
0x66: {  	_ =	swait.ge [sflag:s6], $0x3E8  }
0x67: {  	[sflag:s6] =	ssyncset.done $0x0  }
0x68: {  	[sflag:s6] =	ssyncadd.s32 $0xFFFFFC18  }
0x69: {  	[bflag:$0x0] =	sbarrier.arrive $0xFFFF  }
0x6a: {  	[tilespmem:s18], [sflag:$0x1] =	stream.linear.gather [hbm4b:s17+s3], $0x7D00, $0x38;
	[tilespmem:$0x15BA8] =	vst v63  }
0x6b: {  	_ = 	snop  }
0x6c: {  	[tilespmem:s20], [sflag:$0x2] =	stream.linear.gather [hbm4b:s19+s3], $0x7D00, $0x38;
	[tilespmem:$0x15BA8] =	vst v63  }
0x6d: {  	_ =	swait.ge [sflag:s21], $0x7D00  }
0x6e: {  	[sflag:s21] =	ssyncset.done $0x0  }
0x6f: {  	[sflag:s21] =	ssyncadd.s32 $0xFFFF8300  }
0x70: {  	[spmem:s2] =	stream.indirect.scatter.add.f32 [tilespmem:s18], [sflag:$0x3], $0x20, s3, s10, $0xb8;
	[tilespmem:$0x15BA8] =	vst v63  }
0x71: {  	_ =	swait.ge [sflag:s6], $0x7D00  }
0x72: {  	[sflag:s6] =	ssyncset.done $0x0  }
0x73: {  	[sflag:s6] =	ssyncadd.s32 $0xFFFF8300  }
0x74: {  	[tilespmem:s18], [sflag:$0x1] =	stream.linear.gather [hbm4b:s22+s3], $0x7D00, $0x38;
	[tilespmem:$0x15BA8] =	vst v63  }
0x75: {  	_ =	swait.ge [sflag:s23], $0x7D00  }
0x76: {  	[sflag:s23] =	ssyncset.done $0x0  }
0x77: {  	[sflag:s23] =	ssyncadd.s32 $0xFFFF8300  }
0x78: {  	[spmem:s2] =	stream.indirect.scatter.add.f32 [tilespmem:s20], [sflag:$0x3], $0x20, s10, s10, $0xb8;
	[tilespmem:$0x15BA8] =	vst v63  }
0x79: {  	_ =	swait.ge [sflag:s6], $0x7D00  }
0x7a: {  	[sflag:s6] =	ssyncset.done $0x0  }
0x7b: {  	[sflag:s6] =	ssyncadd.s32 $0xFFFF8300  }
0x7c: {  	[tilespmem:s20], [sflag:$0x2] =	stream.linear.gather [hbm4b:s24+s3], $0x7D00, $0x38;
	[tilespmem:$0x15BA8] =	vst v63  }
0x7d: {  	_ =	swait.ge [sflag:s21], $0x7D00  }
0x7e: {  	[sflag:s21] =	ssyncset.done $0x0  }
0x7f: {  	[sflag:s21] =	ssyncadd.s32 $0xFFFF8300  }
0x80: {  	[spmem:s2] =	stream.indirect.scatter.add.f32 [tilespmem:s18], [sflag:$0x3], $0x20, s12, s10, $0xb8;
	[tilespmem:$0x15BA8] =	vst v63  }
0x81: {  	_ =	swait.ge [sflag:s6], $0x7D00  }
0x82: {  	[sflag:s6] =	ssyncset.done $0x0  }
0x83: {  	[sflag:s6] =	ssyncadd.s32 $0xFFFF8300  }
0x84: {  	[tilespmem:s18], [sflag:$0x1] =	stream.linear.gather [hbm4b:s25+s3], $0x7D00, $0x38;
	[tilespmem:$0x15BA8] =	vst v63  }
0x85: {  	_ =	swait.ge [sflag:s23], $0x7D00  }
0x86: {  	[sflag:s23] =	ssyncset.done $0x0  }
0x87: {  	[sflag:s23] =	ssyncadd.s32 $0xFFFF8300  }
0x88: {  	[spmem:s2] =	stream.indirect.scatter.add.f32 [tilespmem:s20], [sflag:$0x3], $0x20, s14, s10, $0xb8;
	[tilespmem:$0x15BA8] =	vst v63  }
0x89: {  	_ =	swait.ge [sflag:s6], $0x7D00  }
0x8a: {  	[sflag:s6] =	ssyncset.done $0x0  }
0x8b: {  	[sflag:s6] =	ssyncadd.s32 $0xFFFF8300  }
0x8c: {  	_ =	swait.ge [sflag:s21], $0x7D00  }
0x8d: {  	[sflag:s21] =	ssyncset.done $0x0  }
0x8e: {  	[sflag:s21] =	ssyncadd.s32 $0xFFFF8300  }
0x8f: {  	[spmem:s2] =	stream.indirect.scatter.add.f32 [tilespmem:s18], [sflag:$0x3], $0x20, s16, s10, $0xb8;
	[tilespmem:$0x15BA8] =	vst v63  }
0x90: {  	_ =	swait.ge [sflag:s6], $0x7D00  }
0x91: {  	[sflag:s6] =	ssyncset.done $0x0  }
.Ltmp1:
0x92: {  	[sflag:s6] =	ssyncadd.s32 $0xFFFF8300;
	(pc) =	sbr.rel @p0 .LBB2_1-.Ltmp1, $4  }
0x93: {  	[bflag:$0x0] =	sbarrier.arrive $0xFFFF  }
0x94: {  	[hbm:s26], [sflag:s5] =	dma.local [spmem:s7], $0x9C4  }
0x95: {  	_ =	swait.ge [sflag:s6], $0x9C4  }
0x96: {  	[sflag:s6] =	ssyncset.done $0x0  }
.LBB2_2:
0x97: {  	[sflag:s6] =	ssyncadd.s32 $0xFFFFF63C  }
0x98: {  	_ =	sfence.sel $0x180000  }
0x99: {  	[bflag:$0x0] =	sbarrier.arrive $0xFFFF  }
0x9a: {  	p0 =	sne.s32 s1, $0x0;
	_ =	strace $0x9000004A  }
0x9b: {  	s0 =	sadd.s32 @!p0 $0x100000, s0;
	[bflag:$0x2] =	sbarrier.arrive $0xFFFF  }
0x9c: {  	[sflag:s0] =	ssyncadd.tile.s32 @!p0 $0x1;
	_ =	shalt  }
.Lfunc_end2:
_tile_overlayer_lowered:
.L_overlay_start_2:
0x9d: {  	(tag) =	ssettag $0x2  }
0x9e: {  	s0 =	rddreg [dreg:$0x0];
	s2 =	stileid.u32  }
0x9f: {  	s1 =	rddreg [dreg:$0x1];
	p0 =	sne.s32 s2, $0x0  }
0xa0: {  	s3 =	rddreg [dreg:$0x2];
	[bflag:$0x3] =	sbarrier.arrive $0xFFFF;
	s2 =	simm.s32 @!p0 $0x1C03  }
0xa1: {  	[timem:s3], [sflag:s2] =	dma.local @!p0 [hbm:s0], s1  }
0xa2: {  	s0 =	simm.s32 @!p0 $0x3  }
0xa3: {  	_ =	swait.ge @!p0 [sflag:s0], s1  }
0xa4: {  	s1 =	ssub.s32 @!p0 $0x0, s1;
	[sflag:s0] =	ssyncset.done @!p0 $0x0  }
0xa5: {  	[sflag:s0] =	ssyncadd.s32 @!p0 s1  }
0xa6: {  	[bflag:$0x3] =	sbarrier.arrive $0xFFFF  }
0xa7: {  	_ =	shalt  }

// kernel: kernel.7.cloned.1.call-start
scs
__scs_entry_jumppad:
0x0: {  	(pc) =	sbr.rel $0x88, $3  }
0x1: {  	(tag) =	ssettag $0x0;
	lr =	simm.s32 $0x1  }
0x2: {  	[smem:$0x3F9C] =	sst lr;
	_ =	strace $0xD0000000  }
0x3: {  	_ = 	snop  }
0x4: {  	_ = 	snop  }
0x5: {  	_ = 	snop  }
0x6: {  	_ = 	snop  }
0x7: {  	_ = 	snop  }
__scs_overlays_trampoline_lowered:
0x8: {  	[smem:$0x3FAB] =	sst s0  }
0x9: {  	[smem:$0x3FAC] =	sst s1  }
0xa: {  	[smem:$0x3FAD] =	sst s2  }
0xb: {  	[smem:$0x3FAE] =	sst s3  }
0xc: {  	[smem:$0x3FAF] =	sst s4  }
0xd: {  	[smem:$0x3FB0] =	sst s5  }
0xe: {  	[smem:$0x3FB1] =	sst s6  }
0xf: {  	[smem:$0x3FB2] =	sst s7  }
0x10: {  	[smem:$0x3FB3] =	sst s8  }
0x11: {  	[smem:$0x3FB4] =	sst s9;
	s0 =	simm.s32 @!p0 $0x0  }
0x12: {  	s1 =	sld [smem:$0x3F9A];
	s0 =	simm.s32 @p0 $0x1  }
0x13: {  	[smem:$0x3FB5] =	sst s0;
	s0 =	simm.s32 @!p1 $0x0  }
0x14: {  	s2 =	sld [smem:$0x3F99];
	s0 =	simm.s32 @p1 $0x1  }
0x15: {  	[smem:$0x3FB6] =	sst s0;
	s0 =	simm.s32 @!p2 $0x0  }
0x16: {  	s3 =	sld [smem:$0x3FDB];
	s0 =	simm.s32 @p2 $0x1  }
0x17: {  	s4 =	simm.s32 $0x1BF5;
	[smem:$0x3FB8] =	sst s0  }
0x18: {  	s0 =	sld [smem:$0x3F9B];
	_ =	swait.ge [sflag:s4], $0x0  }
0x19: {  	s7 =	sld [smem:$0x3F9C]  }
0x1a: {  	s8 =	sadd.s32 $0xFFFFE003, lr  }
0x1b: {  	s9 =	sadd.s32 $0xFFFFFEF7, lr;
	s5 =	simm.s32 $0xFFFFFFFF;
	p2 =	slt.u32 s8, $0xFFFFF086  }
0x1c: {  	p1 =	slt.u32 s9, $0xF7A;
	s5 =	simm.s32 @!p2 $0x0  }
0x1d: {  	s5 =	simm.s32 @p1 $0x1;
	p0 =	seq.s32 s7, s2  }
0x1e: {  	s7 =	smul.u32 @!p0 $0xF7A, s2;
	p2 =	seq.s32 @!p0 s5, $0x0  }
0x1f: {  	s9 =	smul.u32 $0xF7A, s1;
	s8 =	simm.s32 @!p0 $0x1BF5;
	p2 =	por !p2, p0  }
0x20: {  	[sflag:s8] =	ssyncset.s32 @!p0 $0xFFFFF086;
	s6 =	sadd.s32 @!p0 s3, s7;
	s7 =	simm.s32 @!p0 $0x108  }
0x21: {  	s3 =	sadd.s32 s3, s9;
	s6 =	sadd.s32 @!p0 $0x88, s6;
	s7 =	simm.s32 @p2 $0x1082  }
0x22: {  	[simem:s7], [sflag:s8] =	dma.local @!p0 [hbm:s6], $0xF7A  }
0x23: {  	s9 =	sor.u32 $0xD0000000, s2;
	s6 =	simm.s32 $0x108;
	_ =	swait.ge @!p0 [sflag:s8], $0x0  }
0x24: {  	s3 =	sadd.s32 $0x88, s3;
	s6 =	simm.s32 @!p1 $0x1082;
	[sflag:s4] =	ssyncset.s32 $0xFFFFF086  }
0x25: {  	[simem:s6], [sflag:s4] =	dma.local [hbm:s3], $0xF7A  }
0x26: {  	[smem:$0x3F9C] =	sst s1;
	(tag) =	ssettag s2;
	_ =	strace s9  }
0x27: {  	s1 =	sld [smem:$0x3FAC]  }
0x28: {  	s2 =	sld [smem:$0x3FAD]  }
0x29: {  	s4 =	sld [smem:$0x3FAF]  }
0x2a: {  	p0 =	seq.s32 s5, $0x0;
	s5 =	sld [smem:$0x3FB0]  }
0x2b: {  	s6 =	sld [smem:$0x3FB1]  }
0x2c: {  	s7 =	sld [smem:$0x3FB2]  }
0x2d: {  	s3 =	simm.s32 $0x108;
	s8 =	sld [smem:$0x3FB3]  }
0x2e: {  	s3 =	simm.s32 @!p0 $0x1082;
	s9 =	sld [smem:$0x3FB4]  }
0x2f: {  	lr =	sadd.s32 s0, s3;
	s0 =	sld [smem:$0x3FAB]  }
0x30: {  	s3 =	sld [smem:$0x3FAE]  }
0x31: {  	[smem:$0x3FB7] =	sst s10  }
0x32: {  	s10 =	sld [smem:$0x3FB5];
	_ =	sdelay $0x3  }
0x33: {  	p0 =	seq.s32 s10, $0x1;
	s10 =	sld [smem:$0x3FB7];
	_ =	sdelay $0x3  }
0x34: {  	[smem:$0x3FB7] =	sst s10  }
0x35: {  	s10 =	sld [smem:$0x3FB6];
	_ =	sdelay $0x3  }
0x36: {  	p1 =	seq.s32 s10, $0x1;
	s10 =	sld [smem:$0x3FB7];
	_ =	sdelay $0x3  }
0x37: {  	[smem:$0x3FB7] =	sst s10  }
0x38: {  	s10 =	sld [smem:$0x3FB8]  }
0x39: {  	_ = 	snop;
	(pc) =	sbr.ind lr, $3  }
0x3a: {  	_ = 	snop  }
0x3b: {  	_ = 	snop  }
0x3c: {  	p2 =	seq.s32 s10, $0x1;
	s10 =	sld [smem:$0x3FB7]  }
0x3d: {  	_ =	shalt  }
0x3e: {  	_ =	shalt  }
0x3f: {  	_ =	shalt  }
0x40: {  	_ =	shalt  }
0x41: {  	_ =	shalt  }
0x42: {  	_ =	shalt  }
0x43: {  	_ =	shalt  }
0x44: {  	_ =	shalt  }
0x45: {  	_ =	shalt  }
0x46: {  	_ =	shalt  }
0x47: {  	_ =	shalt  }
0x48: {  	_ =	shalt  }
0x49: {  	_ =	shalt  }
0x4a: {  	_ =	shalt  }
0x4b: {  	_ =	shalt  }
0x4c: {  	_ =	shalt  }
0x4d: {  	_ =	shalt  }
0x4e: {  	_ =	shalt  }
0x4f: {  	_ =	shalt  }
0x50: {  	_ =	shalt  }
0x51: {  	_ =	shalt  }
0x52: {  	_ =	shalt  }
0x53: {  	_ =	shalt  }
0x54: {  	_ =	shalt  }
0x55: {  	_ =	shalt  }
0x56: {  	_ =	shalt  }
0x57: {  	_ =	shalt  }
0x58: {  	_ =	shalt  }
0x59: {  	_ =	shalt  }
0x5a: {  	_ =	shalt  }
0x5b: {  	_ =	shalt  }
0x5c: {  	_ =	shalt  }
0x5d: {  	_ =	shalt  }
0x5e: {  	_ =	shalt  }
0x5f: {  	_ =	shalt  }
0x60: {  	_ =	shalt  }
0x61: {  	_ =	shalt  }
0x62: {  	_ =	shalt  }
0x63: {  	_ =	shalt  }
0x64: {  	_ =	shalt  }
0x65: {  	_ =	shalt  }
0x66: {  	_ =	shalt  }
0x67: {  	_ =	shalt  }
0x68: {  	_ =	shalt  }
0x69: {  	_ =	shalt  }
0x6a: {  	_ =	shalt  }
0x6b: {  	_ =	shalt  }
0x6c: {  	_ =	shalt  }
0x6d: {  	_ =	shalt  }
0x6e: {  	_ =	shalt  }
0x6f: {  	_ =	shalt  }
0x70: {  	_ =	shalt  }
0x71: {  	_ =	shalt  }
0x72: {  	_ =	shalt  }
0x73: {  	_ =	shalt  }
0x74: {  	_ =	shalt  }
0x75: {  	_ =	shalt  }
0x76: {  	_ =	shalt  }
0x77: {  	_ =	shalt  }
0x78: {  	_ =	shalt  }
0x79: {  	_ =	shalt  }
0x7a: {  	_ =	shalt  }
0x7b: {  	_ =	shalt  }
0x7c: {  	_ =	shalt  }
0x7d: {  	_ =	shalt  }
0x7e: {  	_ =	shalt  }
0x7f: {  	_ =	shalt  }
0x80: {  	_ =	shalt  }
0x81: {  	_ =	shalt  }
0x82: {  	_ =	shalt  }
0x83: {  	_ =	shalt  }
0x84: {  	_ =	shalt  }
0x85: {  	_ =	shalt  }
0x86: {  	_ =	shalt  }
0x87: {  	_ =	shalt  }
.Lfunc_end0:
.L_simem_size_0:
called_computation_lowered:
.L_overlay_start_0:
0x88: {  	s2 =	sld [smem:$0x3FD9]  }
0x89: {  	s3 =	sld [smem:$0x3FFE];
	_ =	sdelay $0x1  }
0x8a: {  	s1 =	srdreg.scid  }
0x8b: {  	s0 =	sand.u32 $0x1, s1  }
0x8c: {  	s17 =	sshll.u32 s0, $0xA;
	s2 =	sadd.s32 s3, s2  }
0x8d: {  	s2 =	sadd.s32 s2, s17  }
0x8e: {  	[smem:$0x3FC3] =	sst s2  }
0x8f: {  	_ = 	snop  }
0x90: {  	s2 =	sld [smem:$0x3FD0];
	(tm) =	ssettm $0x1  }
0x91: {  	s18 =	sld [smem:$0x3FFB];
	_ =	sdelay $0x3  }
0x92: {  	_ =	strace s18  }
0x93: {  	s3 =	sld [smem:$0x3FFC];
	_ =	sdelay $0x3  }
0x94: {  	_ =	strace s3  }
0x95: {  	s3 =	sld [smem:$0x3FFD];
	_ =	sdelay $0x3  }
0x96: {  	_ =	strace s3  }
0x97: {  	_ =	strace $0x8FFFFFFF  }
0x98: {  	s19 =	sld [smem:$0x3FDB];
	_ =	sdelay $0x1  }
0x99: {  	s4 =	simm.s32 $_scs_section_size  }
0x9a: {  	s5 =	simm.s32 $_size__tile_overlayer_lowered;
	s6 =	simm.s32 $_tile_overlayer_lowered  }
0x9b: {  	s22 =	simm.s32 $0x1BFF;
	s21 =	sshll.u32 s6, $0x1;
	s3 =	sadd.s32 s4, s19  }
0x9c: {  	s7 =	simm.s32 $0x0;
	s20 =	sshll.u32 s5, $0x1;
	s5 =	sadd.s32 s21, s3  }
0x9d: {  	[timem:s7], [sflag:s22] =	dma.local [hbm:s5], s20  }
0x9e: {  	_ =	swait.ge [sflag:s22], s20  }
0x9f: {  	s4 =	ssub.s32 $0x0, s20;
	[sflag:s22] =	ssyncset.done $0x0  }
0xa0: {  	[sflag:s22] =	ssyncadd.s32 s4;
	_ =	sdelay $0x1  }
0xa1: {  	s23 =	simm.s32 $0x1B8B  }
0xa2: {  	_ =	swait.ge [sflag:s23], $0x1  }
0xa3: {  	[sflag:s23] =	ssyncset.done $0x0  }
0xa4: {  	s25 =	simm.s32 $0x1B8E;
	s24 =	sld [smem:$0x3FFE];
	[sflag:s23] =	ssyncadd.s32 $0xFFFFFFFF  }
0xa5: {  	s26 =	simm.s32 $execute0_lowered;
	[smem:$0x3FD2] =	sst s25  }
0xa6: {  	s5 =	sshll.u32 s26, $0x1;
	_ =	strace $0x80000046;
	[dreg:$0x1] =	wrdreg $0xFFFFFFFF  }
0xa7: {  	s28 =	simm.s32 $_size_execute0_lowered;
	s3 =	sadd.s32 s3, s5;
	[dreg:$0x0] =	wrdreg $0x0  }
0xa8: {  	s5 =	sshll.u32 s28, $0x1;
	[dreg:$0x2] =	wrdreg s3  }
0xa9: {  	[dreg:$0x3] =	wrdreg s5  }
0xaa: {  	[dreg:$0x4] =	wrdreg $0xC0  }
0xab: {  	_ =	task [dreg:s7], $0x5FFFF  }
0xac: {  	[dreg:$0x1] =	wrdreg $0xFFFFFFFF  }
0xad: {  	[dreg:$0x0] =	wrdreg $0x60  }
0xae: {  	[dreg:$0x2] =	wrdreg s2  }
0xaf: {  	[dreg:$0x3] =	wrdreg s24  }
0xb0: {  	[dreg:$0x4] =	wrdreg $0x9  }
0xb1: {  	_ =	task.clear_ibuf [dreg:s7], $0x5FFFF;
	_ =	strace $0x90000046  }
0xb2: {  	s29 =	simm.s32 $0x9;
	_ =	strace $0x80000048  }
0xb3: {  	_ =	swait.ge [sflag:s29], $0x1  }
0xb4: {  	[sflag:s29] =	ssyncadd.s32 $0xFFFFFFFF  }
0xb5: {  	_ =	strace $0x90000048  }
0xb6: {  	_ =	sfence  }
0xb7: {  	s30 =	sld [smem:$0x0];
	_ =	sdelay $0x2  }
0xb8: {  	s31 =	sshll.u32 s1, $0xD;
	s1 =	sshrl.u32 s1, $0x2  }
0xb9: {  	s3 =	sand.u32 $0x4000, s31;
	s1 =	sadd.s32 s1, s30  }
0xba: {  	s0 =	sor.u32 s3, s0;
	s1 =	sshll.u32 s1, $0x11  }
0xbb: {  	s0 =	sor.u32 s1, s0  }
0xbc: {  	s0 =	sadd.s32 $0x8F2B, s0  }
0xbd: {  	[sflag:s0] =	ssyncadd.remote.s32 $0x1  }
0xbe: {  	_ =	sfence.sel $0xFFFF  }
0xbf: {  	[dreg:$0x0] =	wrdreg $0xFFFFFFFF;
	(pc) =	sbr.abs _section_cstart, $3  }
0xc0: {  	[dreg:$0x1] =	wrdreg $0xFFFFFFFF  }
0xc1: {  	_ =	task.clear_ibuf [dreg:s7], $0x2FFFF;
	_ =	strace $0x9FFFFFFF  }
0xc2: {  	(tm) =	ssettm $0x7FFFFFFF  }
0xc3: {  	_ =	shalt  }
tec
execute0_lowered:
.L_overlay_start_1:
0x0: {  	(tag) =	ssettag $0x1  }
0x1: {  	s0 =	srdreg.scid  }
0x2: {  	s22 =	sand.u32 $0x1, s0  }
0x3: {  	s0 =	stileid.u32;
	s1 =	sshll.u32 s22, $0x4  }
0x4: {  	s18 =	sor.u32 s0, s1  }
0x5: {  	s2 =	rddreg [dreg:$0x0];
	s10 =	smul.u32 $0x1388, s18  }
0x6: {  	s17 =	rddreg [dreg:$0x1];
	s3 =	simm.s32 $0x0  }
0x7: {  	s11 =	sadd.s32 $0x1A00, s17;
	[smem:$0x7FF] =	sst s3;
	s4 =	sshrl.u32 s10, $0x3  }
0x8: {  	s1 =	rddreg [dreg:$0x2];
	s12 =	sadd.s32 s11, s4  }
0x9: {  	_ =	strace $0x80000047;
	s4 =	simm.s32 $0x3;
	s5 =	sadd.s32 $0x4E20, s12  }
0xa: {  	[tilespmem:s3], [sflag:$0x3] =	stream.linear.gather [hbm4b:s5+s3], $0x3E8, $0x38;
	[tilespmem:$0x10D88] =	vst v63  }
0xb: {  	s6 =	sadd.s32 $0x274E8, s10;
	_ =	swait.ge [sflag:s4], $0x3E8  }
0xc: {  	s6 =	sshrl.u32 s6, $0x3;
	[sflag:s4] =	ssyncset.done $0x0  }
0xd: {  	s7 =	simm.s32 $0x3E8;
	s6 =	sadd.s32 s11, s6;
	[sflag:s4] =	ssyncadd.s32 $0xFFFFFC18  }
0xe: {  	[tilespmem:s7], [sflag:$0x3] =	stream.linear.gather [hbm4b:s6+s3], $0x3E8, $0x38;
	[tilespmem:$0x10D88] =	vst v63  }
0xf: {  	_ =	swait.ge [sflag:s4], $0x3E8  }
0x10: {  	[sflag:s4] =	ssyncset.done $0x0  }
0x11: {  	s9 =	simm.s32 $0x7D0;
	s8 =	sadd.s32 $0x4F1A, s12;
	[sflag:s4] =	ssyncadd.s32 $0xFFFFFC18  }
0x12: {  	[tilespmem:s9], [sflag:$0x3] =	stream.linear.gather [hbm4b:s8+s3], $0x3E8, $0x38;
	[tilespmem:$0x10D88] =	vst v63  }
0x13: {  	s10 =	sadd.s32 $0x27CB8, s10;
	_ =	swait.ge [sflag:s4], $0x3E8  }
0x14: {  	s10 =	sshrl.u32 s10, $0x3;
	[sflag:s4] =	ssyncset.done $0x0  }
0x15: {  	s10 =	sadd.s32 s11, s10;
	s11 =	simm.s32 $0xBB8;
	[sflag:s4] =	ssyncadd.s32 $0xFFFFFC18  }
0x16: {  	[tilespmem:s11], [sflag:$0x3] =	stream.linear.gather [hbm4b:s10+s3], $0x3E8, $0x38;
	[tilespmem:$0x10D88] =	vst v63  }
0x17: {  	_ =	swait.ge [sflag:s4], $0x3E8  }
0x18: {  	[sflag:s4] =	ssyncset.done $0x0  }
0x19: {  	s13 =	simm.s32 $0xFA0;
	s12 =	sadd.s32 $0x5014, s12;
	[sflag:s4] =	ssyncadd.s32 $0xFFFFFC18  }
0x1a: {  	[tilespmem:s13], [sflag:$0x3] =	stream.linear.gather [hbm4b:s12+s3], $0x3E8, $0x38;
	[tilespmem:$0x10D88] =	vst v63  }
0x1b: {  	_ =	swait.ge [sflag:s4], $0x3E8  }
0x1c: {  	[sflag:s4] =	ssyncset.done $0x0  }
0x1d: {  	s14 =	simm.s32 $0x1388;
	[sflag:s4] =	ssyncadd.s32 $0xFFFFFC18  }
0x1e: {  	[tilespmem:s14], [sflag:$0x1] =	stream.indirect.gather [hbm4b:s2+s7], $0x20, s3, s7, $0xb8;
	[tilespmem:$0x10D88] =	vst v63  }
0x1f: {  	s15 =	simm.s32 $0x9088;
	s16 =	simm.s32 $0x1  }
0x20: {  	[tilespmem:s15], [sflag:$0x2] =	stream.indirect.gather [hbm4b:s2+s7], $0x20, s7, s7, $0xb8;
	[tilespmem:$0x10D88] =	vst v63  }
0x21: {  	s19 =	smul.u32 $0x4E20, s18;
	_ =	swait.ge [sflag:s16], $0x7D00  }
0x22: {  	s20 =	sadd.s32 $0xB800, s17;
	[sflag:s16] =	ssyncset.done $0x0  }
0x23: {  	s17 =	sadd.s32 s20, s19;
	[sflag:s16] =	ssyncadd.s32 $0xFFFF8300  }
0x24: {  	[hbm4b:s17+s3] =	stream.linear.scatter [tilespmem:s14], [sflag:$0x3], $0x7D00, $0x38;
	[tilespmem:$0x10D88] =	vst v63  }
0x25: {  	_ =	swait.ge [sflag:s4], $0x7D00  }
0x26: {  	[sflag:s4] =	ssyncset.done $0x0  }
0x27: {  	s30 =	smul.u32 $0x27100, s18;
	s18 =	simm.s32 $0x2;
	[sflag:s4] =	ssyncadd.s32 $0xFFFF8300  }
0x28: {  	[tilespmem:s14], [sflag:$0x1] =	stream.indirect.gather [hbm4b:s2+s7], $0x20, s9, s7, $0xb8;
	[tilespmem:$0x10D88] =	vst v63  }
0x29: {  	s19 =	sshrl.u32 s30, $0x3;
	_ =	swait.ge [sflag:s18], $0x7D00  }
0x2a: {  	s23 =	sadd.s32 s20, s19;
	[sflag:s18] =	ssyncset.done $0x0  }
0x2b: {  	s19 =	sadd.s32 $0xFA0, s23;
	[sflag:s18] =	ssyncadd.s32 $0xFFFF8300  }
0x2c: {  	[hbm4b:s19+s3] =	stream.linear.scatter [tilespmem:s15], [sflag:$0x3], $0x7D00, $0x38;
	[tilespmem:$0x10D88] =	vst v63  }
0x2d: {  	_ =	swait.ge [sflag:s4], $0x7D00  }
0x2e: {  	[sflag:s4] =	ssyncset.done $0x0  }
0x2f: {  	[sflag:s4] =	ssyncadd.s32 $0xFFFF8300  }
0x30: {  	[tilespmem:s15], [sflag:$0x2] =	stream.indirect.gather [hbm4b:s2+s7], $0x20, s11, s7, $0xb8;
	[tilespmem:$0x10D88] =	vst v63  }
0x31: {  	_ =	swait.ge [sflag:s16], $0x7D00  }
0x32: {  	[sflag:s16] =	ssyncset.done $0x0  }
0x33: {  	s20 =	sadd.s32 $0x1F40, s23;
	[sflag:s16] =	ssyncadd.s32 $0xFFFF8300  }
0x34: {  	[hbm4b:s20+s3] =	stream.linear.scatter [tilespmem:s14], [sflag:$0x3], $0x7D00, $0x38;
	[tilespmem:$0x10D88] =	vst v63  }
0x35: {  	_ =	swait.ge [sflag:s4], $0x7D00  }
0x36: {  	[sflag:s4] =	ssyncset.done $0x0  }
0x37: {  	[sflag:s4] =	ssyncadd.s32 $0xFFFF8300  }
0x38: {  	[tilespmem:s14], [sflag:$0x1] =	stream.indirect.gather [hbm4b:s2+s7], $0x20, s13, s7, $0xb8;
	[tilespmem:$0x10D88] =	vst v63  }
0x39: {  	_ =	swait.ge [sflag:s18], $0x7D00  }
0x3a: {  	[sflag:s18] =	ssyncset.done $0x0  }
0x3b: {  	s22 =	ssub.s32 $0x2, s22;
	s21 =	sadd.s32 $0x2EE0, s23;
	[sflag:s18] =	ssyncadd.s32 $0xFFFF8300  }
0x3c: {  	[hbm4b:s21+s3] =	stream.linear.scatter [tilespmem:s15], [sflag:$0x3], $0x7D00, $0x38;
	[tilespmem:$0x10D88] =	vst v63  }
0x3d: {  	s24 =	sshrl.u32 s22, $0x1;
	_ =	swait.ge [sflag:s4], $0x7D00  }
0x3e: {  	s24 =	ssub.s32 s22, s24;
	[sflag:s4] =	ssyncset.done $0x0  }
0x3f: {  	s31 =	smax.u32 s24, $0x1;
	[sflag:s4] =	ssyncadd.s32 $0xFFFF8300  }
0x40: {  	p0 =	sne.s32 s31, $0x1;
	_ =	swait.ge [sflag:s16], $0x7D00  }
.Ltmp0:
0x41: {  	[sflag:s16] =	ssyncset.done $0x0;
	(pc) =	sbr.rel @!p0 .LBB2_2-.Ltmp0, $4  }
0x42: {  	s22 =	sadd.s32 $0x3E80, s23;
	[sflag:s16] =	ssyncadd.s32 $0xFFFF8300  }
0x43: {  	[hbm4b:s22+s3] =	stream.linear.scatter [tilespmem:s14], [sflag:$0x3], $0x7D00, $0x38;
	[tilespmem:$0x10D88] =	vst v63  }
0x44: {  	_ =	swait.ge [sflag:s4], $0x7D00  }
0x45: {  	s23 =	sadd.s32 $0xFFFFFFFF, s31;
	[sflag:s4] =	ssyncset.done $0x0  }
.LBB2_1:
0x46: {  	p0 =	sne.s32 s23, $0x1;
	s23 =	sadd.s32 $0xFFFFFFFF, s23;
	[sflag:s4] =	ssyncadd.s32 $0xFFFF8300  }
0x47: {  	[tilespmem:s3], [sflag:$0x3] =	stream.linear.gather [hbm4b:s5+s3], $0x3E8, $0x38;
	[tilespmem:$0x10D88] =	vst v63  }
0x48: {  	_ =	swait.ge [sflag:s4], $0x3E8  }
0x49: {  	[sflag:s4] =	ssyncset.done $0x0  }
0x4a: {  	[sflag:s4] =	ssyncadd.s32 $0xFFFFFC18  }
0x4b: {  	[tilespmem:s7], [sflag:$0x3] =	stream.linear.gather [hbm4b:s6+s3], $0x3E8, $0x38;
	[tilespmem:$0x10D88] =	vst v63  }
0x4c: {  	_ =	swait.ge [sflag:s4], $0x3E8  }
0x4d: {  	[sflag:s4] =	ssyncset.done $0x0  }
0x4e: {  	[sflag:s4] =	ssyncadd.s32 $0xFFFFFC18  }
0x4f: {  	[tilespmem:s9], [sflag:$0x3] =	stream.linear.gather [hbm4b:s8+s3], $0x3E8, $0x38;
	[tilespmem:$0x10D88] =	vst v63  }
0x50: {  	_ =	swait.ge [sflag:s4], $0x3E8  }
0x51: {  	[sflag:s4] =	ssyncset.done $0x0  }
0x52: {  	[sflag:s4] =	ssyncadd.s32 $0xFFFFFC18  }
0x53: {  	[tilespmem:s11], [sflag:$0x3] =	stream.linear.gather [hbm4b:s10+s3], $0x3E8, $0x38;
	[tilespmem:$0x10D88] =	vst v63  }
0x54: {  	_ =	swait.ge [sflag:s4], $0x3E8  }
0x55: {  	[sflag:s4] =	ssyncset.done $0x0  }
0x56: {  	[sflag:s4] =	ssyncadd.s32 $0xFFFFFC18  }
0x57: {  	[tilespmem:s13], [sflag:$0x3] =	stream.linear.gather [hbm4b:s12+s3], $0x3E8, $0x38;
	[tilespmem:$0x10D88] =	vst v63  }
0x58: {  	_ =	swait.ge [sflag:s4], $0x3E8  }
0x59: {  	[sflag:s4] =	ssyncset.done $0x0  }
0x5a: {  	[sflag:s4] =	ssyncadd.s32 $0xFFFFFC18  }
0x5b: {  	[tilespmem:s14], [sflag:$0x1] =	stream.indirect.gather [hbm4b:s2+s7], $0x20, s3, s7, $0xb8;
	[tilespmem:$0x10D88] =	vst v63  }
0x5c: {  	_ = 	snop  }
0x5d: {  	[tilespmem:s15], [sflag:$0x2] =	stream.indirect.gather [hbm4b:s2+s7], $0x20, s7, s7, $0xb8;
	[tilespmem:$0x10D88] =	vst v63  }
0x5e: {  	_ =	swait.ge [sflag:s16], $0x7D00  }
0x5f: {  	[sflag:s16] =	ssyncset.done $0x0  }
0x60: {  	[sflag:s16] =	ssyncadd.s32 $0xFFFF8300  }
0x61: {  	[hbm4b:s17+s3] =	stream.linear.scatter [tilespmem:s14], [sflag:$0x3], $0x7D00, $0x38;
	[tilespmem:$0x10D88] =	vst v63  }
0x62: {  	_ =	swait.ge [sflag:s4], $0x7D00  }
0x63: {  	[sflag:s4] =	ssyncset.done $0x0  }
0x64: {  	[sflag:s4] =	ssyncadd.s32 $0xFFFF8300  }
0x65: {  	[tilespmem:s14], [sflag:$0x1] =	stream.indirect.gather [hbm4b:s2+s7], $0x20, s9, s7, $0xb8;
	[tilespmem:$0x10D88] =	vst v63  }
0x66: {  	_ =	swait.ge [sflag:s18], $0x7D00  }
0x67: {  	[sflag:s18] =	ssyncset.done $0x0  }
0x68: {  	[sflag:s18] =	ssyncadd.s32 $0xFFFF8300  }
0x69: {  	[hbm4b:s19+s3] =	stream.linear.scatter [tilespmem:s15], [sflag:$0x3], $0x7D00, $0x38;
	[tilespmem:$0x10D88] =	vst v63  }
0x6a: {  	_ =	swait.ge [sflag:s4], $0x7D00  }
0x6b: {  	[sflag:s4] =	ssyncset.done $0x0  }
0x6c: {  	[sflag:s4] =	ssyncadd.s32 $0xFFFF8300  }
0x6d: {  	[tilespmem:s15], [sflag:$0x2] =	stream.indirect.gather [hbm4b:s2+s7], $0x20, s11, s7, $0xb8;
	[tilespmem:$0x10D88] =	vst v63  }
0x6e: {  	_ =	swait.ge [sflag:s16], $0x7D00  }
0x6f: {  	[sflag:s16] =	ssyncset.done $0x0  }
0x70: {  	[sflag:s16] =	ssyncadd.s32 $0xFFFF8300  }
0x71: {  	[hbm4b:s20+s3] =	stream.linear.scatter [tilespmem:s14], [sflag:$0x3], $0x7D00, $0x38;
	[tilespmem:$0x10D88] =	vst v63  }
0x72: {  	_ =	swait.ge [sflag:s4], $0x7D00  }
0x73: {  	[sflag:s4] =	ssyncset.done $0x0  }
0x74: {  	[sflag:s4] =	ssyncadd.s32 $0xFFFF8300  }
0x75: {  	[tilespmem:s14], [sflag:$0x1] =	stream.indirect.gather [hbm4b:s2+s7], $0x20, s13, s7, $0xb8;
	[tilespmem:$0x10D88] =	vst v63  }
0x76: {  	_ =	swait.ge [sflag:s18], $0x7D00  }
0x77: {  	[sflag:s18] =	ssyncset.done $0x0  }
0x78: {  	[sflag:s18] =	ssyncadd.s32 $0xFFFF8300  }
0x79: {  	[hbm4b:s21+s3] =	stream.linear.scatter [tilespmem:s15], [sflag:$0x3], $0x7D00, $0x38;
	[tilespmem:$0x10D88] =	vst v63  }
0x7a: {  	_ =	swait.ge [sflag:s4], $0x7D00  }
0x7b: {  	[sflag:s4] =	ssyncset.done $0x0  }
0x7c: {  	[sflag:s4] =	ssyncadd.s32 $0xFFFF8300  }
0x7d: {  	_ =	swait.ge [sflag:s16], $0x7D00  }
.Ltmp1:
0x7e: {  	[sflag:s16] =	ssyncset.done $0x0;
	(pc) =	sbr.rel @p0 .LBB2_1-.Ltmp1, $4  }
0x7f: {  	[sflag:s16] =	ssyncadd.s32 $0xFFFF8300  }
0x80: {  	[hbm4b:s22+s3] =	stream.linear.scatter [tilespmem:s14], [sflag:$0x3], $0x7D00, $0x38;
	[tilespmem:$0x10D88] =	vst v63  }
0x81: {  	_ =	swait.ge [sflag:s4], $0x7D00  }
0x82: {  	[sflag:s4] =	ssyncset.done $0x0  }
.LBB2_2:
0x83: {  	[sflag:s4] =	ssyncadd.s32 $0xFFFF8300  }
0x84: {  	_ =	sfence.sel $0x180000  }
0x85: {  	[bflag:$0x0] =	sbarrier.arrive $0xFFFF  }
0x86: {  	p0 =	sne.s32 s0, $0x0;
	_ =	strace $0x90000047  }
0x87: {  	s0 =	sadd.s32 @!p0 $0x100000, s1;
	[bflag:$0x2] =	sbarrier.arrive $0xFFFF  }
0x88: {  	[sflag:s0] =	ssyncadd.tile.s32 @!p0 $0x1;
	_ =	shalt  }
.Lfunc_end2:
_tile_overlayer_lowered:
.L_overlay_start_2:
0x89: {  	(tag) =	ssettag $0x2  }
0x8a: {  	s0 =	rddreg [dreg:$0x0];
	s2 =	stileid.u32  }
0x8b: {  	s1 =	rddreg [dreg:$0x1];
	p0 =	sne.s32 s2, $0x0  }
0x8c: {  	s3 =	rddreg [dreg:$0x2];
	[bflag:$0x3] =	sbarrier.arrive $0xFFFF;
	s2 =	simm.s32 @!p0 $0x1C03  }
0x8d: {  	[timem:s3], [sflag:s2] =	dma.local @!p0 [hbm:s0], s1  }
0x8e: {  	s0 =	simm.s32 @!p0 $0x3  }
0x8f: {  	_ =	swait.ge @!p0 [sflag:s0], s1  }
0x90: {  	s1 =	ssub.s32 @!p0 $0x0, s1;
	[sflag:s0] =	ssyncset.done @!p0 $0x0  }
0x91: {  	[sflag:s0] =	ssyncadd.s32 @!p0 s1  }
0x92: {  	[bflag:$0x3] =	sbarrier.arrive $0xFFFF  }
0x93: {  	_ =	shalt  }

</sc_bundles>
